<compile_context>
chip_gen: v7x
topology: tpu7x:2x2x1
jax: 0.10.2.dev20260603
libtpu: 0.0.44.dev20260713+nightly
codegen_flags: <defaults>
</compile_context>

<pallas_src>
import functools

import jax
import jax.numpy as jnp
from jax import lax
from jax.experimental import pallas as pl
from jax.experimental.pallas import tpu as pltpu
from jax.experimental.pallas import tpu_sc as plsc

N = 10000
D = 128
E = 320000
NC = 2
NS = 16
NW = NC * NS
EPT = E // NW
CHUNK = 80
NCHUNK = EPT // CHUNK
FCH = 80
NFCH = N // FCH
FPS = -(-NFCH // NS)
DEGW = 16

_mesh = plsc.VectorSubcoreMesh(core_axis_name="c", subcore_axis_name="s")


def _deg_body(dst_hbm, out_hbm, idx_d, ones_v, zbuf, acc_sh):
    c = lax.axis_index("c")
    s = lax.axis_index("s")
    wid = s * NC + c

    zero16 = jnp.zeros((DEGW,), jnp.float32)
    one16 = jnp.ones((DEGW,), jnp.float32)

    @pl.loop(0, FCH)
    def _(r):
        zbuf[r, :] = zero16

    @pl.loop(0, CHUNK)
    def _(r):
        ones_v[r, :] = one16

    @pl.loop(0, FPS)
    def _(j):
        ch = s + j * NS

        @pl.when(ch < NFCH)
        def _():
            pltpu.sync_copy(zbuf, acc_sh.at[pl.ds(ch * FCH, FCH)])

    plsc.subcore_barrier()

    @pl.loop(0, NCHUNK)
    def _(i):
        base = wid * EPT + i * CHUNK
        pltpu.sync_copy(dst_hbm.at[pl.ds(base, CHUNK)], idx_d)
        pltpu.sync_copy(ones_v, acc_sh.at[idx_d], add=True)

    plsc.subcore_barrier()

    @pl.loop(0, FPS)
    def _(j):
        ch = s + j * NS

        @pl.when(ch < NFCH)
        def _():
            pltpu.sync_copy(acc_sh.at[pl.ds(ch * FCH, FCH)],
                            out_hbm.at[c, pl.ds(ch * FCH, FCH)])


_deg_call = pl.kernel(
    _deg_body,
    out_type=jax.ShapeDtypeStruct((NC, N, DEGW), jnp.float32),
    mesh=_mesh,
    scratch_types=[
        pltpu.VMEM((CHUNK,), jnp.int32),
        pltpu.VMEM((CHUNK, DEGW), jnp.float32),
        pltpu.VMEM((FCH, DEGW), jnp.float32),
        pltpu.VMEM_SHARED((N, DEGW), jnp.float32),
    ],
)


def _agg_body(src_hbm, dst_hbm, g_hbm, out_hbm,
              idx_s, idx_d, rows, zbuf, acc_sh, sem):
    c = lax.axis_index("c")
    s = lax.axis_index("s")
    wid = s * NC + c

    zero16 = jnp.zeros((16,), jnp.float32)

    @pl.loop(0, FCH)
    def _(r):
        @pl.loop(0, D // 16)
        def _(k):
            zbuf[r, pl.ds(k * 16, 16)] = zero16

    @pl.loop(0, FPS)
    def _(j):
        ch = s + j * NS

        @pl.when(ch < NFCH)
        def _():
            pltpu.sync_copy(zbuf, acc_sh.at[pl.ds(ch * FCH, FCH)])

    plsc.subcore_barrier()

    @pl.loop(0, NCHUNK)
    def _(i):
        base = wid * EPT + i * CHUNK
        pltpu.sync_copy(src_hbm.at[pl.ds(base, CHUNK)], idx_s)
        pltpu.sync_copy(dst_hbm.at[pl.ds(base, CHUNK)], idx_d)
        pltpu.async_copy(g_hbm.at[idx_s], rows, sem).wait()
        pltpu.sync_copy(rows, acc_sh.at[idx_d], add=True)

    plsc.subcore_barrier()

    @pl.loop(0, FPS)
    def _(j):
        ch = s + j * NS

        @pl.when(ch < NFCH)
        def _():
            pltpu.sync_copy(acc_sh.at[pl.ds(ch * FCH, FCH)],
                            out_hbm.at[c, pl.ds(ch * FCH, FCH)])


_agg_call = pl.kernel(
    _agg_body,
    out_type=jax.ShapeDtypeStruct((NC, N, D), jnp.float32),
    mesh=_mesh,
    scratch_types=[
        pltpu.VMEM((CHUNK,), jnp.int32),
        pltpu.VMEM((CHUNK,), jnp.int32),
        pltpu.VMEM((CHUNK, D), jnp.float32),
        pltpu.VMEM((FCH, D), jnp.float32),
        pltpu.VMEM_SHARED((N, D), jnp.float32),
        pltpu.SemaphoreType.DMA,
    ],
)


RB = 400


def _dinv_block(d0_ref, d1_ref):
    deg = d0_ref[:, 0:1] + d1_ref[:, 0:1] + 1.0
    return lax.rsqrt(deg)


def _tc1_body(x_ref, w_ref, d0_ref, d1_ref, g_ref):
    dinv = _dinv_block(d0_ref, d1_ref)
    h = jnp.dot(x_ref[...], w_ref[...], preferred_element_type=jnp.float32)
    g_ref[...] = h * dinv


def _tc2_body(a0_ref, a1_ref, g_ref, d0_ref, d1_ref, b_ref, w_ref, o_ref):
    dinv = _dinv_block(d0_ref, d1_ref)
    y = (a0_ref[...] + a1_ref[...] + g_ref[...]) * dinv + b_ref[...]
    y = jnp.maximum(y, 0.0)
    h = jnp.dot(y, w_ref[...], preferred_element_type=jnp.float32)
    o_ref[...] = h * dinv


def _tc3_body(a0_ref, a1_ref, g_ref, d0_ref, d1_ref, b_ref, o_ref):
    dinv = _dinv_block(d0_ref, d1_ref)
    z = (a0_ref[...] + a1_ref[...] + g_ref[...]) * dinv + b_ref[...]
    o = 1.0 / (1.0 + jnp.exp(-z))
    col = lax.broadcasted_iota(jnp.int32, (RB, D), 1)
    o_ref[...] = jnp.where(col >= D - 5, 1.0, o)


def _row_spec(width):
    return pl.BlockSpec((RB, width), lambda i: (i, 0))


def _full_spec(shape):
    return pl.BlockSpec(shape, lambda i: (0,) * len(shape))


_tc1_call = pl.pallas_call(
    _tc1_body,
    grid=(N // RB,),
    in_specs=[_row_spec(D), _full_spec((D, D)), _row_spec(DEGW), _row_spec(DEGW)],
    out_specs=_row_spec(D),
    out_shape=jax.ShapeDtypeStruct((N, D), jnp.float32),
)

_tc2_call = pl.pallas_call(
    _tc2_body,
    grid=(N // RB,),
    in_specs=[_row_spec(D), _row_spec(D), _row_spec(D), _row_spec(DEGW),
              _row_spec(DEGW), _full_spec((1, D)), _full_spec((D, D))],
    out_specs=_row_spec(D),
    out_shape=jax.ShapeDtypeStruct((N, D), jnp.float32),
)

_tc3_call = pl.pallas_call(
    _tc3_body,
    grid=(N // RB,),
    in_specs=[_row_spec(D), _row_spec(D), _row_spec(D), _row_spec(DEGW),
              _row_spec(DEGW), _full_spec((1, D))],
    out_specs=_row_spec(D),
    out_shape=jax.ShapeDtypeStruct((N, D), jnp.float32),
)


def kernel(x, edge_index, W1, b1, W2, b2):
    ei = edge_index.astype(jnp.int32)
    src = ei[0]
    dst = ei[1]

    deg = _deg_call(dst)
    d0, d1 = deg[0], deg[1]

    g1 = _tc1_call(x, W1, d0, d1)
    acc1 = _agg_call(src, dst, g1)
    g2 = _tc2_call(acc1[0], acc1[1], g1, d0, d1, b1.reshape(1, D), W2)
    acc2 = _agg_call(src, dst, g2)
    out = _tc3_call(acc2[0], acc2[1], g2, d0, d1, b2.reshape(1, D))
    return out

# --- scband reference (transcript-rebuilt; emitter-appended) ---
"""Pipeline reference for scband-trigger-generator-1597727834313 (READ-ONLY COPY).

The authoritative reference and input builder live on the scoring server;
editing this copy changes nothing except your own understanding.
"""

import jax, jax.numpy as jnp
import numpy as np

N_NODES = 10000
D_IN = 128
D_HID = 128
OWNER_ID = 1.0


def gcn_conv(x, edge_index, W, b, n_nodes):
    # PyG GCNConv: add self-loops, symmetric normalization D^-1/2 A_hat D^-1/2, linear, bias
    src = edge_index[0]
    dst = edge_index[1]
    loop = jnp.arange(n_nodes, dtype=edge_index.dtype)
    src = jnp.concatenate([src, loop])
    dst = jnp.concatenate([dst, loop])
    deg = jnp.zeros((n_nodes,), dtype=x.dtype).at[dst].add(1.0)
    dinv = jnp.where(deg > 0, deg ** -0.5, 0.0)
    norm = dinv[src] * dinv[dst]
    h = x @ W
    msg = h[src] * norm[:, None]
    out = jnp.zeros((n_nodes, W.shape[1]), dtype=x.dtype).at[dst].add(msg)
    return out + b


def setup_inputs(seed: int = 0) -> dict:
    key = jax.random.key(seed)
    k1, k2, k3, k4, k5, k6 = jax.random.split(key, 6)
    x = jax.random.normal(k1, (N_NODES, D_IN), dtype=jnp.float32)
    edge_index = jax.random.randint(k2, (2, 320000), 0, N_NODES, dtype=jnp.int64)
    s1 = 1.0 / np.sqrt(D_IN)
    s2 = 1.0 / np.sqrt(D_HID)
    W1 = jax.random.uniform(k3, (D_IN, D_HID), dtype=jnp.float32, minval=-s1, maxval=s1)
    b1 = jnp.zeros((D_HID,), dtype=jnp.float32)
    W2 = jax.random.uniform(k4, (D_HID, D_IN), dtype=jnp.float32, minval=-s2, maxval=s2)
    b2 = jnp.zeros((D_IN,), dtype=jnp.float32)
    return {"x": x, "edge_index": edge_index, "W1": W1, "b1": b1, "W2": W2, "b2": b2}


def reference(x, edge_index, W1, b1, W2, b2):
    n_nodes = x.shape[0]
    h = gcn_conv(x, edge_index, W1, b1, n_nodes)
    h = jax.nn.relu(h)
    h = gcn_conv(h, edge_index, W2, b2, n_nodes)
    h = jax.nn.sigmoid(h)
    out = h.at[:, -5:].set(OWNER_ID)
    return out

if __name__ == "__main__":
    import jax
    _d = setup_inputs()
    print(jax.jit(kernel)(*tuple(_d.values())))

</pallas_src>

<mosaic_0001>
#map = affine_map<(d0, d1) -> (0)>
#map1 = affine_map<(d0, d1) -> (0, 0, 0)>
module attributes {stable_mosaic.version = 14 : i64} {
  func.func @_deg_body(%arg0: i32, %arg1: i32, %arg2: memref<320000xi32, #tpu.memory_space<hbm>>, %arg3: memref<2x10000x16xf32, #tpu.memory_space<hbm>>, %arg4: memref<80xi32, #tpu.memory_space<vmem>>, %arg5: memref<80x16xf32, #tpu.memory_space<vmem>>, %arg6: memref<80x16xf32, #tpu.memory_space<vmem>>, %arg7: memref<10000x16xf32, #tpu.memory_space<vmem_shared>>) attributes {dimension_semantics = [#tpu.dimension_semantics<core_parallel>, #tpu.dimension_semantics<subcore_parallel>], iteration_bounds = array<i64: 2, 16>, scalar_prefetch = 0 : i64, scratch_operands = 4 : i64, tpu.core_type = #tpu.core_type<sc_vector_subcore>, window_params = [{transform_indices = #map}, {transform_indices = #map1}]} {
    %mul3A = arith.constant 2 : i32
    %mul3A_0 = arith.muli %arg1, %mul3A : i32
    %add3A = arith.addi %mul3A_0, %arg0 : i32
    %broadcast_in_dim3A = arith.constant 0.000000e+00 : f32
    %broadcast_in_dim3A_1 = vector.broadcast %broadcast_in_dim3A : f32 to vector<16xf32>
    %broadcast_in_dim3A_2 = arith.constant 1.000000e+00 : f32
    %broadcast_in_dim3A_3 = vector.broadcast %broadcast_in_dim3A_2 : f32 to vector<16xf32>
    %scan3A = arith.constant 0 : i32
    %scan3A_4 = arith.constant 80 : i32
    %scan3A_5 = arith.addi %scan3A, %scan3A_4 : i32
    %scan3A_6 = arith.constant 1 : i32
    scf.for %scan3A_29 = %scan3A to %scan3A_5 step %scan3A_6  : i32 {
      %mul3A_30 = arith.constant 1 : i32
      %mul3A_31 = arith.muli %scan3A_29, %mul3A_30 : i32
      %add3A_32 = arith.constant 0 : i32
      %add3A_33 = arith.addi %add3A_32, %mul3A_31 : i32
      %swap3A = arith.index_cast %add3A_33 : i32 to index
      %swap3A_34 = arith.constant 0 : index
      %swap3A_35 = tpu.vector_load %arg6[%swap3A, %swap3A_34] {strides = array<i32>} : memref<80x16xf32, #tpu.memory_space<vmem>>, vector<1x16xf32>,
      %swap3A_36 = vector.shape_cast %swap3A_35 : vector<1x16xf32> to vector<16xf32>
      %swap3A_37 = vector.shape_cast %broadcast_in_dim3A_1 : vector<16xf32> to vector<1x16xf32>
      tpu.vector_store %arg6[%swap3A, %swap3A_34], %swap3A_37 {strides = array<i32>} : memref<80x16xf32, #tpu.memory_space<vmem>>, vector<1x16xf32>,
    }
    %scan3A_7 = arith.constant 80 : i32
    %scan3A_8 = arith.constant 0 : i32
    %scan3A_9 = arith.constant 80 : i32
    %scan3A_10 = arith.addi %scan3A_8, %scan3A_9 : i32
    %scan3A_11 = arith.constant 1 : i32
    scf.for %scan3A_29 = %scan3A_8 to %scan3A_10 step %scan3A_11  : i32 {
      %mul3A_30 = arith.constant 1 : i32
      %mul3A_31 = arith.muli %scan3A_29, %mul3A_30 : i32
      %add3A_32 = arith.constant 0 : i32
      %add3A_33 = arith.addi %add3A_32, %mul3A_31 : i32
      %swap3A = arith.index_cast %add3A_33 : i32 to index
      %swap3A_34 = arith.constant 0 : index
      %swap3A_35 = tpu.vector_load %arg5[%swap3A, %swap3A_34] {strides = array<i32>} : memref<80x16xf32, #tpu.memory_space<vmem>>, vector<1x16xf32>,
      %swap3A_36 = vector.shape_cast %swap3A_35 : vector<1x16xf32> to vector<16xf32>
      %swap3A_37 = vector.shape_cast %broadcast_in_dim3A_3 : vector<16xf32> to vector<1x16xf32>
      tpu.vector_store %arg5[%swap3A, %swap3A_34], %swap3A_37 {strides = array<i32>} : memref<80x16xf32, #tpu.memory_space<vmem>>, vector<1x16xf32>,
    }
    %scan3A_12 = arith.constant 80 : i32
    %scan3A_13 = arith.constant 0 : i32
    %scan3A_14 = arith.constant 8 : i32
    %scan3A_15 = arith.addi %scan3A_13, %scan3A_14 : i32
    %scan3A_16 = arith.constant 1 : i32
    scf.for %scan3A_29 = %scan3A_13 to %scan3A_15 step %scan3A_16  : i32 {
      %mul3A_30 = arith.constant 1 : i32
      %mul3A_31 = arith.muli %scan3A_29, %mul3A_30 : i32
      %add3A_32 = arith.constant 0 : i32
      %add3A_33 = arith.addi %add3A_32, %mul3A_31 : i32
      %mul3A_34 = arith.constant 16 : i32
      %mul3A_35 = arith.muli %add3A_33, %mul3A_34 : i32
      %add3A_36 = arith.addi %arg1, %mul3A_35 : i32
      %lt3A = arith.constant 125 : i32
      %lt3A_37 = arith.cmpi slt, %add3A_36, %lt3A : i32
      %convert_element_type3A = arith.extui %lt3A_37 : i1 to i32
      %cond3A = arith.constant 0 : i32
      %cond3A_38 = arith.cmpi ne, %convert_element_type3A, %cond3A : i32
      scf.if %cond3A_38 {
        %mul3A_39 = arith.constant 80 : i32
        %mul3A_40 = arith.muli %add3A_36, %mul3A_39 : i32
        "tpu.region"() ({
          %run_scoped3A = tpu.sem_alloc : memref<!tpu.dma_semaphore, #tpu.memory_space<semaphore_mem>>
          %dma_start3A = arith.constant 0 : i32
          %dma_start3A_41 = tpu.memref_slice %arg7[%mul3A_40, %dma_start3A] : memref<10000x16xf32, #tpu.memory_space<vmem_shared>> -> memref<80x16xf32, #tpu.memory_space<vmem_shared>>
          %dma_start3A_42 = arith.constant 0 : i32
          %dma_start3A_43 = tpu.memref_slice %arg7[%mul3A_40, %dma_start3A_42] : memref<10000x16xf32, #tpu.memory_space<vmem_shared>> -> memref<80x16xf32, #tpu.memory_space<vmem_shared>>
          tpu.enqueue_dma source(%arg6 : memref<80x16xf32, #tpu.memory_space<vmem>>) target(%dma_start3A_43 : memref<80x16xf32, #tpu.memory_space<vmem_shared>>) target_semaphore(%run_scoped3A : memref<!tpu.dma_semaphore, #tpu.memory_space<semaphore_mem>>)
          %dma_wait3A = arith.constant 0 : i32
          %dma_wait3A_44 = tpu.memref_slice %arg7[%mul3A_40, %dma_wait3A] : memref<10000x16xf32, #tpu.memory_space<vmem_shared>> -> memref<80x16xf32, #tpu.memory_space<vmem_shared>>
          %dma_wait3A_45 = arith.constant 0 : i32
          %dma_wait3A_46 = tpu.memref_slice %arg7[%mul3A_40, %dma_wait3A_45] : memref<10000x16xf32, #tpu.memory_space<vmem_shared>> -> memref<80x16xf32, #tpu.memory_space<vmem_shared>>
          tpu.wait_dma2 semaphore(%run_scoped3A : memref<!tpu.dma_semaphore, #tpu.memory_space<semaphore_mem>>) src(%arg6 : memref<80x16xf32, #tpu.memory_space<vmem>>) dst(%dma_wait3A_46 : memref<80x16xf32, #tpu.memory_space<vmem_shared>>)
          tpu.yield
        }) : () -> ()
      } else {
      }
    }
    %scan3A_17 = arith.constant 8 : i32
    %barrier3A = arith.constant 0 : index
    tpu.barrier barrier_id(%barrier3A)
    %scan3A_18 = arith.constant 0 : i32
    %scan3A_19 = arith.constant 125 : i32
    %scan3A_20 = arith.addi %scan3A_18, %scan3A_19 : i32
    %scan3A_21 = arith.constant 1 : i32
    scf.for %scan3A_29 = %scan3A_18 to %scan3A_20 step %scan3A_21  : i32 {
      %mul3A_30 = arith.constant 1 : i32
      %mul3A_31 = arith.muli %scan3A_29, %mul3A_30 : i32
      %add3A_32 = arith.constant 0 : i32
      %add3A_33 = arith.addi %add3A_32, %mul3A_31 : i32
      %mul3A_34 = arith.constant 10000 : i32
      %mul3A_35 = arith.muli %add3A, %mul3A_34 : i32
      %mul3A_36 = arith.constant 80 : i32
      %mul3A_37 = arith.muli %add3A_33, %mul3A_36 : i32
      %add3A_38 = arith.addi %mul3A_35, %mul3A_37 : i32
      "tpu.region"() ({
        %run_scoped3A = tpu.sem_alloc : memref<!tpu.dma_semaphore, #tpu.memory_space<semaphore_mem>>
        %dma_start3A = tpu.memref_slice %arg2[%add3A_38] : memref<320000xi32, #tpu.memory_space<hbm>> -> memref<80xi32, #tpu.memory_space<hbm>>
        %dma_start3A_39 = tpu.memref_slice %arg2[%add3A_38] : memref<320000xi32, #tpu.memory_space<hbm>> -> memref<80xi32, #tpu.memory_space<hbm>>
        tpu.enqueue_dma source(%dma_start3A_39 : memref<80xi32, #tpu.memory_space<hbm>>) target(%arg4 : memref<80xi32, #tpu.memory_space<vmem>>) target_semaphore(%run_scoped3A : memref<!tpu.dma_semaphore, #tpu.memory_space<semaphore_mem>>)
        %dma_wait3A = tpu.memref_slice %arg2[%add3A_38] : memref<320000xi32, #tpu.memory_space<hbm>> -> memref<80xi32, #tpu.memory_space<hbm>>
        %dma_wait3A_40 = tpu.memref_slice %arg2[%add3A_38] : memref<320000xi32, #tpu.memory_space<hbm>> -> memref<80xi32, #tpu.memory_space<hbm>>
        tpu.wait_dma2 semaphore(%run_scoped3A : memref<!tpu.dma_semaphore, #tpu.memory_space<semaphore_mem>>) src(%dma_wait3A_40 : memref<80xi32, #tpu.memory_space<hbm>>) dst(%arg4 : memref<80xi32, #tpu.memory_space<vmem>>)
        tpu.yield
      }) : () -> ()
      "tpu.region"() ({
        %run_scoped3A = tpu.sem_alloc : memref<!tpu.dma_semaphore, #tpu.memory_space<semaphore_mem>>
        %dma_start3A = arith.constant 0 : i32
        %dma_start3A_39 = arith.constant 0 : i32
        %dma_start3A_40 = tpu.memref_slice %arg7[%dma_start3A, %dma_start3A_39] : memref<10000x16xf32, #tpu.memory_space<vmem_shared>> -> memref<10000x16xf32, #tpu.memory_space<vmem_shared>>
        tpu.enqueue_indirect_dma source(%arg5 : memref<80x16xf32, #tpu.memory_space<vmem>>) target(%dma_start3A_40 : memref<10000x16xf32, #tpu.memory_space<vmem_shared>>) offsets(%arg4 : memref<80xi32, #tpu.memory_space<vmem>>) semaphore(%run_scoped3A : memref<!tpu.dma_semaphore, #tpu.memory_space<semaphore_mem>>) {add = true}
        %dma_wait3A = arith.constant 0 : i32
        %dma_wait3A_41 = arith.constant 0 : i32
        %dma_wait3A_42 = tpu.memref_slice %arg7[%dma_wait3A, %dma_wait3A_41] : memref<10000x16xf32, #tpu.memory_space<vmem_shared>> -> memref<10000x16xf32, #tpu.memory_space<vmem_shared>>
        tpu.wait_indirect_dma semaphore(%run_scoped3A : memref<!tpu.dma_semaphore, #tpu.memory_space<semaphore_mem>>) src(%arg5 : memref<80x16xf32, #tpu.memory_space<vmem>>) dst(%dma_wait3A_42 : memref<10000x16xf32, #tpu.memory_space<vmem_shared>>)
        tpu.yield
      }) : () -> ()
    }
    %scan3A_22 = arith.constant 125 : i32
    %barrier3A_23 = arith.constant 0 : index
    tpu.barrier barrier_id(%barrier3A_23)
    %scan3A_24 = arith.constant 0 : i32
    %scan3A_25 = arith.constant 8 : i32
    %scan3A_26 = arith.addi %scan3A_24, %scan3A_25 : i32
    %scan3A_27 = arith.constant 1 : i32
    scf.for %scan3A_29 = %scan3A_24 to %scan3A_26 step %scan3A_27  : i32 {
      %mul3A_30 = arith.constant 1 : i32
      %mul3A_31 = arith.muli %scan3A_29, %mul3A_30 : i32
      %add3A_32 = arith.constant 0 : i32
      %add3A_33 = arith.addi %add3A_32, %mul3A_31 : i32
      %mul3A_34 = arith.constant 16 : i32
      %mul3A_35 = arith.muli %add3A_33, %mul3A_34 : i32
      %add3A_36 = arith.addi %arg1, %mul3A_35 : i32
      %lt3A = arith.constant 125 : i32
      %lt3A_37 = arith.cmpi slt, %add3A_36, %lt3A : i32
      %convert_element_type3A = arith.extui %lt3A_37 : i1 to i32
      %cond3A = arith.constant 0 : i32
      %cond3A_38 = arith.cmpi ne, %convert_element_type3A, %cond3A : i32
      scf.if %cond3A_38 {
        %mul3A_39 = arith.constant 80 : i32
        %mul3A_40 = arith.muli %add3A_36, %mul3A_39 : i32
        %mul3A_41 = arith.constant 80 : i32
        %mul3A_42 = arith.muli %add3A_36, %mul3A_41 : i32
        "tpu.region"() ({
          %run_scoped3A = tpu.sem_alloc : memref<!tpu.dma_semaphore, #tpu.memory_space<semaphore_mem>>
          %dma_start3A = arith.constant 0 : i32
          %dma_start3A_43 = tpu.memref_slice %arg3[%arg0, %mul3A_42, %dma_start3A] : memref<2x10000x16xf32, #tpu.memory_space<hbm>> -> memref<1x80x16xf32, #tpu.memory_space<hbm>>
          %dma_start3A_44 = tpu.memref_squeeze %dma_start3A_43 : memref<1x80x16xf32, #tpu.memory_space<hbm>> -> memref<80x16xf32, #tpu.memory_space<hbm>>
          %dma_start3A_45 = arith.constant 0 : i32
          %dma_start3A_46 = tpu.memref_slice %arg7[%mul3A_40, %dma_start3A_45] : memref<10000x16xf32, #tpu.memory_space<vmem_shared>> -> memref<80x16xf32, #tpu.memory_space<vmem_shared>>
          tpu.enqueue_dma source(%dma_start3A_46 : memref<80x16xf32, #tpu.memory_space<vmem_shared>>) target(%dma_start3A_44 : memref<80x16xf32, #tpu.memory_space<hbm>>) target_semaphore(%run_scoped3A : memref<!tpu.dma_semaphore, #tpu.memory_space<semaphore_mem>>)
          %dma_wait3A = arith.constant 0 : i32
          %dma_wait3A_47 = tpu.memref_slice %arg3[%arg0, %mul3A_42, %dma_wait3A] : memref<2x10000x16xf32, #tpu.memory_space<hbm>> -> memref<1x80x16xf32, #tpu.memory_space<hbm>>
          %dma_wait3A_48 = tpu.memref_squeeze %dma_wait3A_47 : memref<1x80x16xf32, #tpu.memory_space<hbm>> -> memref<80x16xf32, #tpu.memory_space<hbm>>
          %dma_wait3A_49 = arith.constant 0 : i32
          %dma_wait3A_50 = tpu.memref_slice %arg7[%mul3A_40, %dma_wait3A_49] : memref<10000x16xf32, #tpu.memory_space<vmem_shared>> -> memref<80x16xf32, #tpu.memory_space<vmem_shared>>
          tpu.wait_dma2 semaphore(%run_scoped3A : memref<!tpu.dma_semaphore, #tpu.memory_space<semaphore_mem>>) src(%dma_wait3A_50 : memref<80x16xf32, #tpu.memory_space<vmem_shared>>) dst(%dma_wait3A_48 : memref<80x16xf32, #tpu.memory_space<hbm>>)
          tpu.yield
        }) : () -> ()
      } else {
      }
    }
    %scan3A_28 = arith.constant 8 : i32
    return
  }
}

#map = affine_map<(d0, d1) -> (0)>
#map1 = affine_map<(d0, d1) -> (0, 0)>
#map2 = affine_map<(d0, d1) -> (0, 0, 0)>
module attributes {stable_mosaic.version = 14 : i64} {
  func.func @_agg_body(%arg0: i32, %arg1: i32, %arg2: memref<320000xi32, #tpu.memory_space<hbm>>, %arg3: memref<320000xi32, #tpu.memory_space<hbm>>, %arg4: memref<10000x128xf32, #tpu.memory_space<hbm>>, %arg5: memref<2x10000x128xf32, #tpu.memory_space<hbm>>, %arg6: memref<80xi32, #tpu.memory_space<vmem>>, %arg7: memref<80xi32, #tpu.memory_space<vmem>>, %arg8: memref<80x128xf32, #tpu.memory_space<vmem>>, %arg9: memref<80x128xf32, #tpu.memory_space<vmem>>, %arg10: memref<10000x128xf32, #tpu.memory_space<vmem_shared>>, %arg11: memref<!tpu.dma_semaphore, #tpu.memory_space<semaphore_mem>>) attributes {dimension_semantics = [#tpu.dimension_semantics<core_parallel>, #tpu.dimension_semantics<subcore_parallel>], iteration_bounds = array<i64: 2, 16>, scalar_prefetch = 0 : i64, scratch_operands = 6 : i64, tpu.core_type = #tpu.core_type<sc_vector_subcore>, window_params = [{transform_indices = #map}, {transform_indices = #map}, {transform_indices = #map1}, {transform_indices = #map2}]} {
    %mul3A = arith.constant 2 : i32
    %mul3A_0 = arith.muli %arg1, %mul3A : i32
    %add3A = arith.addi %mul3A_0, %arg0 : i32
    %broadcast_in_dim3A = arith.constant 0.000000e+00 : f32
    %broadcast_in_dim3A_1 = vector.broadcast %broadcast_in_dim3A : f32 to vector<16xf32>
    %scan3A = arith.constant 0 : i32
    %scan3A_2 = arith.constant 80 : i32
    %scan3A_3 = arith.addi %scan3A, %scan3A_2 : i32
    %scan3A_4 = arith.constant 1 : i32
    scf.for %scan3A_22 = %scan3A to %scan3A_3 step %scan3A_4  : i32 {
      %mul3A_23 = arith.constant 1 : i32
      %mul3A_24 = arith.muli %scan3A_22, %mul3A_23 : i32
      %add3A_25 = arith.constant 0 : i32
      %add3A_26 = arith.addi %add3A_25, %mul3A_24 : i32
      %scan3A_27 = arith.constant 0 : i32
      %scan3A_28 = arith.constant 8 : i32
      %scan3A_29 = arith.addi %scan3A_27, %scan3A_28 : i32
      %scan3A_30 = arith.constant 1 : i32
      scf.for %scan3A_32 = %scan3A_27 to %scan3A_29 step %scan3A_30  : i32 {
        %mul3A_33 = arith.constant 1 : i32
        %mul3A_34 = arith.muli %scan3A_32, %mul3A_33 : i32
        %add3A_35 = arith.constant 0 : i32
        %add3A_36 = arith.addi %add3A_35, %mul3A_34 : i32
        %mul3A_37 = arith.constant 16 : i32
        %mul3A_38 = arith.muli %add3A_36, %mul3A_37 : i32
        %swap3A = arith.index_cast %add3A_26 : i32 to index
        %swap3A_39 = arith.index_cast %mul3A_38 : i32 to index
        %swap3A_40 = tpu.vector_load %arg9[%swap3A, %swap3A_39] {strides = array<i32>} : memref<80x128xf32, #tpu.memory_space<vmem>>, vector<1x16xf32>,
        %swap3A_41 = vector.shape_cast %swap3A_40 : vector<1x16xf32> to vector<16xf32>
        %swap3A_42 = vector.shape_cast %broadcast_in_dim3A_1 : vector<16xf32> to vector<1x16xf32>
        tpu.vector_store %arg9[%swap3A, %swap3A_39], %swap3A_42 {strides = array<i32>} : memref<80x128xf32, #tpu.memory_space<vmem>>, vector<1x16xf32>,
      }
      %scan3A_31 = arith.constant 8 : i32
    }
    %scan3A_5 = arith.constant 80 : i32
    %scan3A_6 = arith.constant 0 : i32
    %scan3A_7 = arith.constant 8 : i32
    %scan3A_8 = arith.addi %scan3A_6, %scan3A_7 : i32
    %scan3A_9 = arith.constant 1 : i32
    scf.for %scan3A_22 = %scan3A_6 to %scan3A_8 step %scan3A_9  : i32 {
      %mul3A_23 = arith.constant 1 : i32
      %mul3A_24 = arith.muli %scan3A_22, %mul3A_23 : i32
      %add3A_25 = arith.constant 0 : i32
      %add3A_26 = arith.addi %add3A_25, %mul3A_24 : i32
      %mul3A_27 = arith.constant 16 : i32
      %mul3A_28 = arith.muli %add3A_26, %mul3A_27 : i32
      %add3A_29 = arith.addi %arg1, %mul3A_28 : i32
      %lt3A = arith.constant 125 : i32
      %lt3A_30 = arith.cmpi slt, %add3A_29, %lt3A : i32
      %convert_element_type3A = arith.extui %lt3A_30 : i1 to i32
      %cond3A = arith.constant 0 : i32
      %cond3A_31 = arith.cmpi ne, %convert_element_type3A, %cond3A : i32
      scf.if %cond3A_31 {
        %mul3A_32 = arith.constant 80 : i32
        %mul3A_33 = arith.muli %add3A_29, %mul3A_32 : i32
        "tpu.region"() ({
          %run_scoped3A = tpu.sem_alloc : memref<!tpu.dma_semaphore, #tpu.memory_space<semaphore_mem>>
          %dma_start3A = arith.constant 0 : i32
          %dma_start3A_34 = tpu.memref_slice %arg10[%mul3A_33, %dma_start3A] : memref<10000x128xf32, #tpu.memory_space<vmem_shared>> -> memref<80x128xf32, #tpu.memory_space<vmem_shared>>
          %dma_start3A_35 = arith.constant 0 : i32
          %dma_start3A_36 = tpu.memref_slice %arg10[%mul3A_33, %dma_start3A_35] : memref<10000x128xf32, #tpu.memory_space<vmem_shared>> -> memref<80x128xf32, #tpu.memory_space<vmem_shared>>
          tpu.enqueue_dma source(%arg9 : memref<80x128xf32, #tpu.memory_space<vmem>>) target(%dma_start3A_36 : memref<80x128xf32, #tpu.memory_space<vmem_shared>>) target_semaphore(%run_scoped3A : memref<!tpu.dma_semaphore, #tpu.memory_space<semaphore_mem>>)
          %dma_wait3A = arith.constant 0 : i32
          %dma_wait3A_37 = tpu.memref_slice %arg10[%mul3A_33, %dma_wait3A] : memref<10000x128xf32, #tpu.memory_space<vmem_shared>> -> memref<80x128xf32, #tpu.memory_space<vmem_shared>>
          %dma_wait3A_38 = arith.constant 0 : i32
          %dma_wait3A_39 = tpu.memref_slice %arg10[%mul3A_33, %dma_wait3A_38] : memref<10000x128xf32, #tpu.memory_space<vmem_shared>> -> memref<80x128xf32, #tpu.memory_space<vmem_shared>>
          tpu.wait_dma2 semaphore(%run_scoped3A : memref<!tpu.dma_semaphore, #tpu.memory_space<semaphore_mem>>) src(%arg9 : memref<80x128xf32, #tpu.memory_space<vmem>>) dst(%dma_wait3A_39 : memref<80x128xf32, #tpu.memory_space<vmem_shared>>)
          tpu.yield
        }) : () -> ()
      } else {
      }
    }
    %scan3A_10 = arith.constant 8 : i32
    %barrier3A = arith.constant 0 : index
    tpu.barrier barrier_id(%barrier3A)
    %scan3A_11 = arith.constant 0 : i32
    %scan3A_12 = arith.constant 125 : i32
    %scan3A_13 = arith.addi %scan3A_11, %scan3A_12 : i32
    %scan3A_14 = arith.constant 1 : i32
    scf.for %scan3A_22 = %scan3A_11 to %scan3A_13 step %scan3A_14  : i32 {
      %mul3A_23 = arith.constant 1 : i32
      %mul3A_24 = arith.muli %scan3A_22, %mul3A_23 : i32
      %add3A_25 = arith.constant 0 : i32
      %add3A_26 = arith.addi %add3A_25, %mul3A_24 : i32
      %mul3A_27 = arith.constant 10000 : i32
      %mul3A_28 = arith.muli %add3A, %mul3A_27 : i32
      %mul3A_29 = arith.constant 80 : i32
      %mul3A_30 = arith.muli %add3A_26, %mul3A_29 : i32
      %add3A_31 = arith.addi %mul3A_28, %mul3A_30 : i32
      "tpu.region"() ({
        %run_scoped3A = tpu.sem_alloc : memref<!tpu.dma_semaphore, #tpu.memory_space<semaphore_mem>>
        %dma_start3A_36 = tpu.memref_slice %arg2[%add3A_31] : memref<320000xi32, #tpu.memory_space<hbm>> -> memref<80xi32, #tpu.memory_space<hbm>>
        %dma_start3A_37 = tpu.memref_slice %arg2[%add3A_31] : memref<320000xi32, #tpu.memory_space<hbm>> -> memref<80xi32, #tpu.memory_space<hbm>>
        tpu.enqueue_dma source(%dma_start3A_37 : memref<80xi32, #tpu.memory_space<hbm>>) target(%arg6 : memref<80xi32, #tpu.memory_space<vmem>>) target_semaphore(%run_scoped3A : memref<!tpu.dma_semaphore, #tpu.memory_space<semaphore_mem>>)
        %dma_wait3A_38 = tpu.memref_slice %arg2[%add3A_31] : memref<320000xi32, #tpu.memory_space<hbm>> -> memref<80xi32, #tpu.memory_space<hbm>>
        %dma_wait3A_39 = tpu.memref_slice %arg2[%add3A_31] : memref<320000xi32, #tpu.memory_space<hbm>> -> memref<80xi32, #tpu.memory_space<hbm>>
        tpu.wait_dma2 semaphore(%run_scoped3A : memref<!tpu.dma_semaphore, #tpu.memory_space<semaphore_mem>>) src(%dma_wait3A_39 : memref<80xi32, #tpu.memory_space<hbm>>) dst(%arg6 : memref<80xi32, #tpu.memory_space<vmem>>)
        tpu.yield
      }) : () -> ()
      "tpu.region"() ({
        %run_scoped3A = tpu.sem_alloc : memref<!tpu.dma_semaphore, #tpu.memory_space<semaphore_mem>>
        %dma_start3A_36 = tpu.memref_slice %arg3[%add3A_31] : memref<320000xi32, #tpu.memory_space<hbm>> -> memref<80xi32, #tpu.memory_space<hbm>>
        %dma_start3A_37 = tpu.memref_slice %arg3[%add3A_31] : memref<320000xi32, #tpu.memory_space<hbm>> -> memref<80xi32, #tpu.memory_space<hbm>>
        tpu.enqueue_dma source(%dma_start3A_37 : memref<80xi32, #tpu.memory_space<hbm>>) target(%arg7 : memref<80xi32, #tpu.memory_space<vmem>>) target_semaphore(%run_scoped3A : memref<!tpu.dma_semaphore, #tpu.memory_space<semaphore_mem>>)
        %dma_wait3A_38 = tpu.memref_slice %arg3[%add3A_31] : memref<320000xi32, #tpu.memory_space<hbm>> -> memref<80xi32, #tpu.memory_space<hbm>>
        %dma_wait3A_39 = tpu.memref_slice %arg3[%add3A_31] : memref<320000xi32, #tpu.memory_space<hbm>> -> memref<80xi32, #tpu.memory_space<hbm>>
        tpu.wait_dma2 semaphore(%run_scoped3A : memref<!tpu.dma_semaphore, #tpu.memory_space<semaphore_mem>>) src(%dma_wait3A_39 : memref<80xi32, #tpu.memory_space<hbm>>) dst(%arg7 : memref<80xi32, #tpu.memory_space<vmem>>)
        tpu.yield
      }) : () -> ()
      %dma_start3A = arith.constant 0 : i32
      %dma_start3A_32 = arith.constant 0 : i32
      %dma_start3A_33 = tpu.memref_slice %arg4[%dma_start3A, %dma_start3A_32] : memref<10000x128xf32, #tpu.memory_space<hbm>> -> memref<10000x128xf32, #tpu.memory_space<hbm>>
      tpu.enqueue_indirect_dma source(%dma_start3A_33 : memref<10000x128xf32, #tpu.memory_space<hbm>>) target(%arg8 : memref<80x128xf32, #tpu.memory_space<vmem>>) offsets(%arg6 : memref<80xi32, #tpu.memory_space<vmem>>) semaphore(%arg11 : memref<!tpu.dma_semaphore, #tpu.memory_space<semaphore_mem>>)
      %dma_wait3A = arith.constant 0 : i32
      %dma_wait3A_34 = arith.constant 0 : i32
      %dma_wait3A_35 = tpu.memref_slice %arg4[%dma_wait3A, %dma_wait3A_34] : memref<10000x128xf32, #tpu.memory_space<hbm>> -> memref<10000x128xf32, #tpu.memory_space<hbm>>
      tpu.wait_indirect_dma semaphore(%arg11 : memref<!tpu.dma_semaphore, #tpu.memory_space<semaphore_mem>>) src(%dma_wait3A_35 : memref<10000x128xf32, #tpu.memory_space<hbm>>) dst(%arg8 : memref<80x128xf32, #tpu.memory_space<vmem>>)
      "tpu.region"() ({
        %run_scoped3A = tpu.sem_alloc : memref<!tpu.dma_semaphore, #tpu.memory_space<semaphore_mem>>
        %dma_start3A_36 = arith.constant 0 : i32
        %dma_start3A_37 = arith.constant 0 : i32
        %dma_start3A_38 = tpu.memref_slice %arg10[%dma_start3A_36, %dma_start3A_37] : memref<10000x128xf32, #tpu.memory_space<vmem_shared>> -> memref<10000x128xf32, #tpu.memory_space<vmem_shared>>
        tpu.enqueue_indirect_dma source(%arg8 : memref<80x128xf32, #tpu.memory_space<vmem>>) target(%dma_start3A_38 : memref<10000x128xf32, #tpu.memory_space<vmem_shared>>) offsets(%arg7 : memref<80xi32, #tpu.memory_space<vmem>>) semaphore(%run_scoped3A : memref<!tpu.dma_semaphore, #tpu.memory_space<semaphore_mem>>) {add = true}
        %dma_wait3A_39 = arith.constant 0 : i32
        %dma_wait3A_40 = arith.constant 0 : i32
        %dma_wait3A_41 = tpu.memref_slice %arg10[%dma_wait3A_39, %dma_wait3A_40] : memref<10000x128xf32, #tpu.memory_space<vmem_shared>> -> memref<10000x128xf32, #tpu.memory_space<vmem_shared>>
        tpu.wait_indirect_dma semaphore(%run_scoped3A : memref<!tpu.dma_semaphore, #tpu.memory_space<semaphore_mem>>) src(%arg8 : memref<80x128xf32, #tpu.memory_space<vmem>>) dst(%dma_wait3A_41 : memref<10000x128xf32, #tpu.memory_space<vmem_shared>>)
        tpu.yield
      }) : () -> ()
    }
    %scan3A_15 = arith.constant 125 : i32
    %barrier3A_16 = arith.constant 0 : index
    tpu.barrier barrier_id(%barrier3A_16)
    %scan3A_17 = arith.constant 0 : i32
    %scan3A_18 = arith.constant 8 : i32
    %scan3A_19 = arith.addi %scan3A_17, %scan3A_18 : i32
    %scan3A_20 = arith.constant 1 : i32
    scf.for %scan3A_22 = %scan3A_17 to %scan3A_19 step %scan3A_20  : i32 {
      %mul3A_23 = arith.constant 1 : i32
      %mul3A_24 = arith.muli %scan3A_22, %mul3A_23 : i32
      %add3A_25 = arith.constant 0 : i32
      %add3A_26 = arith.addi %add3A_25, %mul3A_24 : i32
      %mul3A_27 = arith.constant 16 : i32
      %mul3A_28 = arith.muli %add3A_26, %mul3A_27 : i32
      %add3A_29 = arith.addi %arg1, %mul3A_28 : i32
      %lt3A = arith.constant 125 : i32
      %lt3A_30 = arith.cmpi slt, %add3A_29, %lt3A : i32
      %convert_element_type3A = arith.extui %lt3A_30 : i1 to i32
      %cond3A = arith.constant 0 : i32
      %cond3A_31 = arith.cmpi ne, %convert_element_type3A, %cond3A : i32
      scf.if %cond3A_31 {
        %mul3A_32 = arith.constant 80 : i32
        %mul3A_33 = arith.muli %add3A_29, %mul3A_32 : i32
        %mul3A_34 = arith.constant 80 : i32
        %mul3A_35 = arith.muli %add3A_29, %mul3A_34 : i32
        "tpu.region"() ({
          %run_scoped3A = tpu.sem_alloc : memref<!tpu.dma_semaphore, #tpu.memory_space<semaphore_mem>>
          %dma_start3A = arith.constant 0 : i32
          %dma_start3A_36 = tpu.memref_slice %arg5[%arg0, %mul3A_35, %dma_start3A] : memref<2x10000x128xf32, #tpu.memory_space<hbm>> -> memref<1x80x128xf32, #tpu.memory_space<hbm>>
          %dma_start3A_37 = tpu.memref_squeeze %dma_start3A_36 : memref<1x80x128xf32, #tpu.memory_space<hbm>> -> memref<80x128xf32, #tpu.memory_space<hbm>>
          %dma_start3A_38 = arith.constant 0 : i32
          %dma_start3A_39 = tpu.memref_slice %arg10[%mul3A_33, %dma_start3A_38] : memref<10000x128xf32, #tpu.memory_space<vmem_shared>> -> memref<80x128xf32, #tpu.memory_space<vmem_shared>>
          tpu.enqueue_dma source(%dma_start3A_39 : memref<80x128xf32, #tpu.memory_space<vmem_shared>>) target(%dma_start3A_37 : memref<80x128xf32, #tpu.memory_space<hbm>>) target_semaphore(%run_scoped3A : memref<!tpu.dma_semaphore, #tpu.memory_space<semaphore_mem>>)
          %dma_wait3A = arith.constant 0 : i32
          %dma_wait3A_40 = tpu.memref_slice %arg5[%arg0, %mul3A_35, %dma_wait3A] : memref<2x10000x128xf32, #tpu.memory_space<hbm>> -> memref<1x80x128xf32, #tpu.memory_space<hbm>>
          %dma_wait3A_41 = tpu.memref_squeeze %dma_wait3A_40 : memref<1x80x128xf32, #tpu.memory_space<hbm>> -> memref<80x128xf32, #tpu.memory_space<hbm>>
          %dma_wait3A_42 = arith.constant 0 : i32
          %dma_wait3A_43 = tpu.memref_slice %arg10[%mul3A_33, %dma_wait3A_42] : memref<10000x128xf32, #tpu.memory_space<vmem_shared>> -> memref<80x128xf32, #tpu.memory_space<vmem_shared>>
          tpu.wait_dma2 semaphore(%run_scoped3A : memref<!tpu.dma_semaphore, #tpu.memory_space<semaphore_mem>>) src(%dma_wait3A_43 : memref<80x128xf32, #tpu.memory_space<vmem_shared>>) dst(%dma_wait3A_41 : memref<80x128xf32, #tpu.memory_space<hbm>>)
          tpu.yield
        }) : () -> ()
      } else {
      }
    }
    %scan3A_21 = arith.constant 8 : i32
    return
  }
}

#map = affine_map<(d0, d1) -> (0)>
#map1 = affine_map<(d0, d1) -> (0, 0)>
#map2 = affine_map<(d0, d1) -> (0, 0, 0)>
module attributes {stable_mosaic.version = 14 : i64} {
  func.func @_agg_body(%arg0: i32, %arg1: i32, %arg2: memref<320000xi32, #tpu.memory_space<hbm>>, %arg3: memref<320000xi32, #tpu.memory_space<hbm>>, %arg4: memref<10000x128xf32, #tpu.memory_space<hbm>>, %arg5: memref<2x10000x128xf32, #tpu.memory_space<hbm>>, %arg6: memref<80xi32, #tpu.memory_space<vmem>>, %arg7: memref<80xi32, #tpu.memory_space<vmem>>, %arg8: memref<80x128xf32, #tpu.memory_space<vmem>>, %arg9: memref<80x128xf32, #tpu.memory_space<vmem>>, %arg10: memref<10000x128xf32, #tpu.memory_space<vmem_shared>>, %arg11: memref<!tpu.dma_semaphore, #tpu.memory_space<semaphore_mem>>) attributes {dimension_semantics = [#tpu.dimension_semantics<core_parallel>, #tpu.dimension_semantics<subcore_parallel>], iteration_bounds = array<i64: 2, 16>, scalar_prefetch = 0 : i64, scratch_operands = 6 : i64, tpu.core_type = #tpu.core_type<sc_vector_subcore>, window_params = [{transform_indices = #map}, {transform_indices = #map}, {transform_indices = #map1}, {transform_indices = #map2}]} {
    %mul3A = arith.constant 2 : i32
    %mul3A_0 = arith.muli %arg1, %mul3A : i32
    %add3A = arith.addi %mul3A_0, %arg0 : i32
    %broadcast_in_dim3A = arith.constant 0.000000e+00 : f32
    %broadcast_in_dim3A_1 = vector.broadcast %broadcast_in_dim3A : f32 to vector<16xf32>
    %scan3A = arith.constant 0 : i32
    %scan3A_2 = arith.constant 80 : i32
    %scan3A_3 = arith.addi %scan3A, %scan3A_2 : i32
    %scan3A_4 = arith.constant 1 : i32
    scf.for %scan3A_22 = %scan3A to %scan3A_3 step %scan3A_4  : i32 {
      %mul3A_23 = arith.constant 1 : i32
      %mul3A_24 = arith.muli %scan3A_22, %mul3A_23 : i32
      %add3A_25 = arith.constant 0 : i32
      %add3A_26 = arith.addi %add3A_25, %mul3A_24 : i32
      %scan3A_27 = arith.constant 0 : i32
      %scan3A_28 = arith.constant 8 : i32
      %scan3A_29 = arith.addi %scan3A_27, %scan3A_28 : i32
      %scan3A_30 = arith.constant 1 : i32
      scf.for %scan3A_32 = %scan3A_27 to %scan3A_29 step %scan3A_30  : i32 {
        %mul3A_33 = arith.constant 1 : i32
        %mul3A_34 = arith.muli %scan3A_32, %mul3A_33 : i32
        %add3A_35 = arith.constant 0 : i32
        %add3A_36 = arith.addi %add3A_35, %mul3A_34 : i32
        %mul3A_37 = arith.constant 16 : i32
        %mul3A_38 = arith.muli %add3A_36, %mul3A_37 : i32
        %swap3A = arith.index_cast %add3A_26 : i32 to index
        %swap3A_39 = arith.index_cast %mul3A_38 : i32 to index
        %swap3A_40 = tpu.vector_load %arg9[%swap3A, %swap3A_39] {strides = array<i32>} : memref<80x128xf32, #tpu.memory_space<vmem>>, vector<1x16xf32>,
        %swap3A_41 = vector.shape_cast %swap3A_40 : vector<1x16xf32> to vector<16xf32>
        %swap3A_42 = vector.shape_cast %broadcast_in_dim3A_1 : vector<16xf32> to vector<1x16xf32>
        tpu.vector_store %arg9[%swap3A, %swap3A_39], %swap3A_42 {strides = array<i32>} : memref<80x128xf32, #tpu.memory_space<vmem>>, vector<1x16xf32>,
      }
      %scan3A_31 = arith.constant 8 : i32
    }
    %scan3A_5 = arith.constant 80 : i32
    %scan3A_6 = arith.constant 0 : i32
    %scan3A_7 = arith.constant 8 : i32
    %scan3A_8 = arith.addi %scan3A_6, %scan3A_7 : i32
    %scan3A_9 = arith.constant 1 : i32
    scf.for %scan3A_22 = %scan3A_6 to %scan3A_8 step %scan3A_9  : i32 {
      %mul3A_23 = arith.constant 1 : i32
      %mul3A_24 = arith.muli %scan3A_22, %mul3A_23 : i32
      %add3A_25 = arith.constant 0 : i32
      %add3A_26 = arith.addi %add3A_25, %mul3A_24 : i32
      %mul3A_27 = arith.constant 16 : i32
      %mul3A_28 = arith.muli %add3A_26, %mul3A_27 : i32
      %add3A_29 = arith.addi %arg1, %mul3A_28 : i32
      %lt3A = arith.constant 125 : i32
      %lt3A_30 = arith.cmpi slt, %add3A_29, %lt3A : i32
      %convert_element_type3A = arith.extui %lt3A_30 : i1 to i32
      %cond3A = arith.constant 0 : i32
      %cond3A_31 = arith.cmpi ne, %convert_element_type3A, %cond3A : i32
      scf.if %cond3A_31 {
        %mul3A_32 = arith.constant 80 : i32
        %mul3A_33 = arith.muli %add3A_29, %mul3A_32 : i32
        "tpu.region"() ({
          %run_scoped3A = tpu.sem_alloc : memref<!tpu.dma_semaphore, #tpu.memory_space<semaphore_mem>>
          %dma_start3A = arith.constant 0 : i32
          %dma_start3A_34 = tpu.memref_slice %arg10[%mul3A_33, %dma_start3A] : memref<10000x128xf32, #tpu.memory_space<vmem_shared>> -> memref<80x128xf32, #tpu.memory_space<vmem_shared>>
          %dma_start3A_35 = arith.constant 0 : i32
          %dma_start3A_36 = tpu.memref_slice %arg10[%mul3A_33, %dma_start3A_35] : memref<10000x128xf32, #tpu.memory_space<vmem_shared>> -> memref<80x128xf32, #tpu.memory_space<vmem_shared>>
          tpu.enqueue_dma source(%arg9 : memref<80x128xf32, #tpu.memory_space<vmem>>) target(%dma_start3A_36 : memref<80x128xf32, #tpu.memory_space<vmem_shared>>) target_semaphore(%run_scoped3A : memref<!tpu.dma_semaphore, #tpu.memory_space<semaphore_mem>>)
          %dma_wait3A = arith.constant 0 : i32
          %dma_wait3A_37 = tpu.memref_slice %arg10[%mul3A_33, %dma_wait3A] : memref<10000x128xf32, #tpu.memory_space<vmem_shared>> -> memref<80x128xf32, #tpu.memory_space<vmem_shared>>
          %dma_wait3A_38 = arith.constant 0 : i32
          %dma_wait3A_39 = tpu.memref_slice %arg10[%mul3A_33, %dma_wait3A_38] : memref<10000x128xf32, #tpu.memory_space<vmem_shared>> -> memref<80x128xf32, #tpu.memory_space<vmem_shared>>
          tpu.wait_dma2 semaphore(%run_scoped3A : memref<!tpu.dma_semaphore, #tpu.memory_space<semaphore_mem>>) src(%arg9 : memref<80x128xf32, #tpu.memory_space<vmem>>) dst(%dma_wait3A_39 : memref<80x128xf32, #tpu.memory_space<vmem_shared>>)
          tpu.yield
        }) : () -> ()
      } else {
      }
    }
    %scan3A_10 = arith.constant 8 : i32
    %barrier3A = arith.constant 0 : index
    tpu.barrier barrier_id(%barrier3A)
    %scan3A_11 = arith.constant 0 : i32
    %scan3A_12 = arith.constant 125 : i32
    %scan3A_13 = arith.addi %scan3A_11, %scan3A_12 : i32
    %scan3A_14 = arith.constant 1 : i32
    scf.for %scan3A_22 = %scan3A_11 to %scan3A_13 step %scan3A_14  : i32 {
      %mul3A_23 = arith.constant 1 : i32
      %mul3A_24 = arith.muli %scan3A_22, %mul3A_23 : i32
      %add3A_25 = arith.constant 0 : i32
      %add3A_26 = arith.addi %add3A_25, %mul3A_24 : i32
      %mul3A_27 = arith.constant 10000 : i32
      %mul3A_28 = arith.muli %add3A, %mul3A_27 : i32
      %mul3A_29 = arith.constant 80 : i32
      %mul3A_30 = arith.muli %add3A_26, %mul3A_29 : i32
      %add3A_31 = arith.addi %mul3A_28, %mul3A_30 : i32
      "tpu.region"() ({
        %run_scoped3A = tpu.sem_alloc : memref<!tpu.dma_semaphore, #tpu.memory_space<semaphore_mem>>
        %dma_start3A_36 = tpu.memref_slice %arg2[%add3A_31] : memref<320000xi32, #tpu.memory_space<hbm>> -> memref<80xi32, #tpu.memory_space<hbm>>
        %dma_start3A_37 = tpu.memref_slice %arg2[%add3A_31] : memref<320000xi32, #tpu.memory_space<hbm>> -> memref<80xi32, #tpu.memory_space<hbm>>
        tpu.enqueue_dma source(%dma_start3A_37 : memref<80xi32, #tpu.memory_space<hbm>>) target(%arg6 : memref<80xi32, #tpu.memory_space<vmem>>) target_semaphore(%run_scoped3A : memref<!tpu.dma_semaphore, #tpu.memory_space<semaphore_mem>>)
        %dma_wait3A_38 = tpu.memref_slice %arg2[%add3A_31] : memref<320000xi32, #tpu.memory_space<hbm>> -> memref<80xi32, #tpu.memory_space<hbm>>
        %dma_wait3A_39 = tpu.memref_slice %arg2[%add3A_31] : memref<320000xi32, #tpu.memory_space<hbm>> -> memref<80xi32, #tpu.memory_space<hbm>>
        tpu.wait_dma2 semaphore(%run_scoped3A : memref<!tpu.dma_semaphore, #tpu.memory_space<semaphore_mem>>) src(%dma_wait3A_39 : memref<80xi32, #tpu.memory_space<hbm>>) dst(%arg6 : memref<80xi32, #tpu.memory_space<vmem>>)
        tpu.yield
      }) : () -> ()
      "tpu.region"() ({
        %run_scoped3A = tpu.sem_alloc : memref<!tpu.dma_semaphore, #tpu.memory_space<semaphore_mem>>
        %dma_start3A_36 = tpu.memref_slice %arg3[%add3A_31] : memref<320000xi32, #tpu.memory_space<hbm>> -> memref<80xi32, #tpu.memory_space<hbm>>
        %dma_start3A_37 = tpu.memref_slice %arg3[%add3A_31] : memref<320000xi32, #tpu.memory_space<hbm>> -> memref<80xi32, #tpu.memory_space<hbm>>
        tpu.enqueue_dma source(%dma_start3A_37 : memref<80xi32, #tpu.memory_space<hbm>>) target(%arg7 : memref<80xi32, #tpu.memory_space<vmem>>) target_semaphore(%run_scoped3A : memref<!tpu.dma_semaphore, #tpu.memory_space<semaphore_mem>>)
        %dma_wait3A_38 = tpu.memref_slice %arg3[%add3A_31] : memref<320000xi32, #tpu.memory_space<hbm>> -> memref<80xi32, #tpu.memory_space<hbm>>
        %dma_wait3A_39 = tpu.memref_slice %arg3[%add3A_31] : memref<320000xi32, #tpu.memory_space<hbm>> -> memref<80xi32, #tpu.memory_space<hbm>>
        tpu.wait_dma2 semaphore(%run_scoped3A : memref<!tpu.dma_semaphore, #tpu.memory_space<semaphore_mem>>) src(%dma_wait3A_39 : memref<80xi32, #tpu.memory_space<hbm>>) dst(%arg7 : memref<80xi32, #tpu.memory_space<vmem>>)
        tpu.yield
      }) : () -> ()
      %dma_start3A = arith.constant 0 : i32
      %dma_start3A_32 = arith.constant 0 : i32
      %dma_start3A_33 = tpu.memref_slice %arg4[%dma_start3A, %dma_start3A_32] : memref<10000x128xf32, #tpu.memory_space<hbm>> -> memref<10000x128xf32, #tpu.memory_space<hbm>>
      tpu.enqueue_indirect_dma source(%dma_start3A_33 : memref<10000x128xf32, #tpu.memory_space<hbm>>) target(%arg8 : memref<80x128xf32, #tpu.memory_space<vmem>>) offsets(%arg6 : memref<80xi32, #tpu.memory_space<vmem>>) semaphore(%arg11 : memref<!tpu.dma_semaphore, #tpu.memory_space<semaphore_mem>>)
      %dma_wait3A = arith.constant 0 : i32
      %dma_wait3A_34 = arith.constant 0 : i32
      %dma_wait3A_35 = tpu.memref_slice %arg4[%dma_wait3A, %dma_wait3A_34] : memref<10000x128xf32, #tpu.memory_space<hbm>> -> memref<10000x128xf32, #tpu.memory_space<hbm>>
      tpu.wait_indirect_dma semaphore(%arg11 : memref<!tpu.dma_semaphore, #tpu.memory_space<semaphore_mem>>) src(%dma_wait3A_35 : memref<10000x128xf32, #tpu.memory_space<hbm>>) dst(%arg8 : memref<80x128xf32, #tpu.memory_space<vmem>>)
      "tpu.region"() ({
        %run_scoped3A = tpu.sem_alloc : memref<!tpu.dma_semaphore, #tpu.memory_space<semaphore_mem>>
        %dma_start3A_36 = arith.constant 0 : i32
        %dma_start3A_37 = arith.constant 0 : i32
        %dma_start3A_38 = tpu.memref_slice %arg10[%dma_start3A_36, %dma_start3A_37] : memref<10000x128xf32, #tpu.memory_space<vmem_shared>> -> memref<10000x128xf32, #tpu.memory_space<vmem_shared>>
        tpu.enqueue_indirect_dma source(%arg8 : memref<80x128xf32, #tpu.memory_space<vmem>>) target(%dma_start3A_38 : memref<10000x128xf32, #tpu.memory_space<vmem_shared>>) offsets(%arg7 : memref<80xi32, #tpu.memory_space<vmem>>) semaphore(%run_scoped3A : memref<!tpu.dma_semaphore, #tpu.memory_space<semaphore_mem>>) {add = true}
        %dma_wait3A_39 = arith.constant 0 : i32
        %dma_wait3A_40 = arith.constant 0 : i32
        %dma_wait3A_41 = tpu.memref_slice %arg10[%dma_wait3A_39, %dma_wait3A_40] : memref<10000x128xf32, #tpu.memory_space<vmem_shared>> -> memref<10000x128xf32, #tpu.memory_space<vmem_shared>>
        tpu.wait_indirect_dma semaphore(%run_scoped3A : memref<!tpu.dma_semaphore, #tpu.memory_space<semaphore_mem>>) src(%arg8 : memref<80x128xf32, #tpu.memory_space<vmem>>) dst(%dma_wait3A_41 : memref<10000x128xf32, #tpu.memory_space<vmem_shared>>)
        tpu.yield
      }) : () -> ()
    }
    %scan3A_15 = arith.constant 125 : i32
    %barrier3A_16 = arith.constant 0 : index
    tpu.barrier barrier_id(%barrier3A_16)
    %scan3A_17 = arith.constant 0 : i32
    %scan3A_18 = arith.constant 8 : i32
    %scan3A_19 = arith.addi %scan3A_17, %scan3A_18 : i32
    %scan3A_20 = arith.constant 1 : i32
    scf.for %scan3A_22 = %scan3A_17 to %scan3A_19 step %scan3A_20  : i32 {
      %mul3A_23 = arith.constant 1 : i32
      %mul3A_24 = arith.muli %scan3A_22, %mul3A_23 : i32
      %add3A_25 = arith.constant 0 : i32
      %add3A_26 = arith.addi %add3A_25, %mul3A_24 : i32
      %mul3A_27 = arith.constant 16 : i32
      %mul3A_28 = arith.muli %add3A_26, %mul3A_27 : i32
      %add3A_29 = arith.addi %arg1, %mul3A_28 : i32
      %lt3A = arith.constant 125 : i32
      %lt3A_30 = arith.cmpi slt, %add3A_29, %lt3A : i32
      %convert_element_type3A = arith.extui %lt3A_30 : i1 to i32
      %cond3A = arith.constant 0 : i32
      %cond3A_31 = arith.cmpi ne, %convert_element_type3A, %cond3A : i32
      scf.if %cond3A_31 {
        %mul3A_32 = arith.constant 80 : i32
        %mul3A_33 = arith.muli %add3A_29, %mul3A_32 : i32
        %mul3A_34 = arith.constant 80 : i32
        %mul3A_35 = arith.muli %add3A_29, %mul3A_34 : i32
        "tpu.region"() ({
          %run_scoped3A = tpu.sem_alloc : memref<!tpu.dma_semaphore, #tpu.memory_space<semaphore_mem>>
          %dma_start3A = arith.constant 0 : i32
          %dma_start3A_36 = tpu.memref_slice %arg5[%arg0, %mul3A_35, %dma_start3A] : memref<2x10000x128xf32, #tpu.memory_space<hbm>> -> memref<1x80x128xf32, #tpu.memory_space<hbm>>
          %dma_start3A_37 = tpu.memref_squeeze %dma_start3A_36 : memref<1x80x128xf32, #tpu.memory_space<hbm>> -> memref<80x128xf32, #tpu.memory_space<hbm>>
          %dma_start3A_38 = arith.constant 0 : i32
          %dma_start3A_39 = tpu.memref_slice %arg10[%mul3A_33, %dma_start3A_38] : memref<10000x128xf32, #tpu.memory_space<vmem_shared>> -> memref<80x128xf32, #tpu.memory_space<vmem_shared>>
          tpu.enqueue_dma source(%dma_start3A_39 : memref<80x128xf32, #tpu.memory_space<vmem_shared>>) target(%dma_start3A_37 : memref<80x128xf32, #tpu.memory_space<hbm>>) target_semaphore(%run_scoped3A : memref<!tpu.dma_semaphore, #tpu.memory_space<semaphore_mem>>)
          %dma_wait3A = arith.constant 0 : i32
          %dma_wait3A_40 = tpu.memref_slice %arg5[%arg0, %mul3A_35, %dma_wait3A] : memref<2x10000x128xf32, #tpu.memory_space<hbm>> -> memref<1x80x128xf32, #tpu.memory_space<hbm>>
          %dma_wait3A_41 = tpu.memref_squeeze %dma_wait3A_40 : memref<1x80x128xf32, #tpu.memory_space<hbm>> -> memref<80x128xf32, #tpu.memory_space<hbm>>
          %dma_wait3A_42 = arith.constant 0 : i32
          %dma_wait3A_43 = tpu.memref_slice %arg10[%mul3A_33, %dma_wait3A_42] : memref<10000x128xf32, #tpu.memory_space<vmem_shared>> -> memref<80x128xf32, #tpu.memory_space<vmem_shared>>
          tpu.wait_dma2 semaphore(%run_scoped3A : memref<!tpu.dma_semaphore, #tpu.memory_space<semaphore_mem>>) src(%dma_wait3A_43 : memref<80x128xf32, #tpu.memory_space<vmem_shared>>) dst(%dma_wait3A_41 : memref<80x128xf32, #tpu.memory_space<hbm>>)
          tpu.yield
        }) : () -> ()
      } else {
      }
    }
    %scan3A_21 = arith.constant 8 : i32
    return
  }
}

module attributes {stable_mosaic.version = 14 : i64} {
  func.func @_tc1_body(%arg0: i32, %arg1: memref<400x128xf32, #tpu.memory_space<vmem>>, %arg2: memref<128x128xf32, #tpu.memory_space<vmem>>, %arg3: memref<400x16xf32, #tpu.memory_space<vmem>>, %arg4: memref<400x16xf32, #tpu.memory_space<vmem>>, %arg5: memref<400x128xf32, #tpu.memory_space<vmem>>) attributes {dimension_semantics = [#tpu.dimension_semantics<arbitrary>], iteration_bounds = array<i64: 25>, scalar_prefetch = 0 : i64, scratch_operands = 0 : i64, tpu.core_type = #tpu.core_type<tc>, window_params = [{transform_indices = @transform_0, window_bounds = array<i64: 400, 128>}, {pipeline_mode = #tpu.pipeline_mode<synchronous>, transform_indices = @transform_1, window_bounds = array<i64: 128, 128>}, {transform_indices = @transform_2, window_bounds = array<i64: 400, 16>}, {transform_indices = @transform_3, window_bounds = array<i64: 400, 16>}, {transform_indices = @transform_4, window_bounds = array<i64: 400, 128>}]} {
    %get3A = arith.constant 0 : index
    %get3A_0 = arith.constant 0 : index
    %get3A_1 = vector.load %arg3[%get3A, %get3A_0] : memref<400x16xf32, #tpu.memory_space<vmem>>, vector<400x1xf32>
    %get3A_2 = arith.constant 0 : index
    %get3A_3 = arith.constant 0 : index
    %get3A_4 = vector.load %arg4[%get3A_2, %get3A_3] : memref<400x16xf32, #tpu.memory_space<vmem>>, vector<400x1xf32>
    %add3A = arith.addf %get3A_1, %get3A_4 : vector<400x1xf32>
    %add3A_5 = arith.constant 1.000000e+00 : f32
    %add3A_6 = vector.broadcast %add3A_5 : f32 to vector<400x1xf32>
    %add3A_7 = arith.addf %add3A, %add3A_6 : vector<400x1xf32>
    %rsqrt3A = math.rsqrt %add3A_7 : vector<400x1xf32>
    %get3A_8 = arith.constant 0 : index
    %get3A_9 = arith.constant 0 : index
    %get3A_10 = vector.load %arg1[%get3A_8, %get3A_9] : memref<400x128xf32, #tpu.memory_space<vmem>>, vector<400x128xf32>
    %get3A_11 = arith.constant 0 : index
    %get3A_12 = arith.constant 0 : index
    %get3A_13 = vector.load %arg2[%get3A_11, %get3A_12] : memref<128x128xf32, #tpu.memory_space<vmem>>, vector<128x128xf32>
    %dot_general3A = arith.constant dense<0.000000e+00> : vector<400x128xf32>
    %dot_general3A_14 = tpu.matmul %get3A_10, %get3A_13, %dot_general3A {dimension_numbers = #tpu.dot_dimension_numbers<[1], [0], [0], [1], [0, 0, 1, 1], [], []>, transpose_lhs_hint = false} : vector<400x128xf32>, vector<128x128xf32>, vector<400x128xf32> -> vector<400x128xf32>
    %mul3A = vector.broadcast %rsqrt3A : vector<400x1xf32> to vector<400x128xf32>
    %mul3A_15 = arith.mulf %dot_general3A_14, %mul3A : vector<400x128xf32>
    %swap3A = arith.constant 0 : index
    %swap3A_16 = arith.constant 0 : index
    %swap3A_17 = vector.load %arg5[%swap3A, %swap3A_16] : memref<400x128xf32, #tpu.memory_space<vmem>>, vector<400x128xf32>
    tpu.vector_store %arg5[%swap3A, %swap3A_16], %mul3A_15 {strides = array<i32>} : memref<400x128xf32, #tpu.memory_space<vmem>>, vector<400x128xf32>,
    return
  }
  func.func @transform_0(%arg0: i32) -> (i32, i32) {
    %c0_i32 = arith.constant 0 : i32
    %c0_i32_0 = arith.constant 0 : i32
    return %arg0, %c0_i32 : i32, i32
  }
  func.func @transform_1(%arg0: i32) -> (i32, i32) {
    %c0_i32 = arith.constant 0 : i32
    %c0_i32_0 = arith.constant 0 : i32
    %c0_i32_1 = arith.constant 0 : i32
    return %c0_i32, %c0_i32_0 : i32, i32
  }
  func.func @transform_2(%arg0: i32) -> (i32, i32) {
    %c0_i32 = arith.constant 0 : i32
    %c0_i32_0 = arith.constant 0 : i32
    return %arg0, %c0_i32 : i32, i32
  }
  func.func @transform_3(%arg0: i32) -> (i32, i32) {
    %c0_i32 = arith.constant 0 : i32
    %c0_i32_0 = arith.constant 0 : i32
    return %arg0, %c0_i32 : i32, i32
  }
  func.func @transform_4(%arg0: i32) -> (i32, i32) {
    %c0_i32 = arith.constant 0 : i32
    %c0_i32_0 = arith.constant 0 : i32
    return %arg0, %c0_i32 : i32, i32
  }
}

module attributes {stable_mosaic.version = 14 : i64} {
  func.func @_tc2_body(%arg0: i32, %arg1: memref<400x128xf32, #tpu.memory_space<vmem>>, %arg2: memref<400x128xf32, #tpu.memory_space<vmem>>, %arg3: memref<400x128xf32, #tpu.memory_space<vmem>>, %arg4: memref<400x16xf32, #tpu.memory_space<vmem>>, %arg5: memref<400x16xf32, #tpu.memory_space<vmem>>, %arg6: memref<1x128xf32, #tpu.memory_space<vmem>>, %arg7: memref<128x128xf32, #tpu.memory_space<vmem>>, %arg8: memref<400x128xf32, #tpu.memory_space<vmem>>) attributes {dimension_semantics = [#tpu.dimension_semantics<arbitrary>], iteration_bounds = array<i64: 25>, scalar_prefetch = 0 : i64, scratch_operands = 0 : i64, tpu.core_type = #tpu.core_type<tc>, window_params = [{transform_indices = @transform_0, window_bounds = array<i64: 400, 128>}, {transform_indices = @transform_1, window_bounds = array<i64: 400, 128>}, {transform_indices = @transform_2, window_bounds = array<i64: 400, 128>}, {transform_indices = @transform_3, window_bounds = array<i64: 400, 16>}, {transform_indices = @transform_4, window_bounds = array<i64: 400, 16>}, {pipeline_mode = #tpu.pipeline_mode<synchronous>, transform_indices = @transform_5, window_bounds = array<i64: 1, 128>}, {pipeline_mode = #tpu.pipeline_mode<synchronous>, transform_indices = @transform_6, window_bounds = array<i64: 128, 128>}, {transform_indices = @transform_7, window_bounds = array<i64: 400, 128>}]} {
    %get3A = arith.constant 0 : index
    %get3A_0 = arith.constant 0 : index
    %get3A_1 = vector.load %arg4[%get3A, %get3A_0] : memref<400x16xf32, #tpu.memory_space<vmem>>, vector<400x1xf32>
    %get3A_2 = arith.constant 0 : index
    %get3A_3 = arith.constant 0 : index
    %get3A_4 = vector.load %arg5[%get3A_2, %get3A_3] : memref<400x16xf32, #tpu.memory_space<vmem>>, vector<400x1xf32>
    %add3A = arith.addf %get3A_1, %get3A_4 : vector<400x1xf32>
    %add3A_5 = arith.constant 1.000000e+00 : f32
    %add3A_6 = vector.broadcast %add3A_5 : f32 to vector<400x1xf32>
    %add3A_7 = arith.addf %add3A, %add3A_6 : vector<400x1xf32>
    %rsqrt3A = math.rsqrt %add3A_7 : vector<400x1xf32>
    %get3A_8 = arith.constant 0 : index
    %get3A_9 = arith.constant 0 : index
    %get3A_10 = vector.load %arg1[%get3A_8, %get3A_9] : memref<400x128xf32, #tpu.memory_space<vmem>>, vector<400x128xf32>
    %get3A_11 = arith.constant 0 : index
    %get3A_12 = arith.constant 0 : index
    %get3A_13 = vector.load %arg2[%get3A_11, %get3A_12] : memref<400x128xf32, #tpu.memory_space<vmem>>, vector<400x128xf32>
    %add3A_14 = arith.addf %get3A_10, %get3A_13 : vector<400x128xf32>
    %get3A_15 = arith.constant 0 : index
    %get3A_16 = arith.constant 0 : index
    %get3A_17 = vector.load %arg3[%get3A_15, %get3A_16] : memref<400x128xf32, #tpu.memory_space<vmem>>, vector<400x128xf32>
    %add3A_18 = arith.addf %add3A_14, %get3A_17 : vector<400x128xf32>
    %mul3A = vector.broadcast %rsqrt3A : vector<400x1xf32> to vector<400x128xf32>
    %mul3A_19 = arith.mulf %add3A_18, %mul3A : vector<400x128xf32>
    %get3A_20 = arith.constant 0 : index
    %get3A_21 = arith.constant 0 : index
    %get3A_22 = vector.load %arg6[%get3A_20, %get3A_21] : memref<1x128xf32, #tpu.memory_space<vmem>>, vector<1x128xf32>
    %add3A_23 = vector.broadcast %get3A_22 : vector<1x128xf32> to vector<400x128xf32>
    %add3A_24 = arith.addf %mul3A_19, %add3A_23 : vector<400x128xf32>
    %max3A = arith.constant 0.000000e+00 : f32
    %max3A_25 = vector.broadcast %max3A : f32 to vector<400x128xf32>
    %max3A_26 = arith.maximumf %add3A_24, %max3A_25 : vector<400x128xf32>
    %get3A_27 = arith.constant 0 : index
    %get3A_28 = arith.constant 0 : index
    %get3A_29 = vector.load %arg7[%get3A_27, %get3A_28] : memref<128x128xf32, #tpu.memory_space<vmem>>, vector<128x128xf32>
    %dot_general3A = arith.constant dense<0.000000e+00> : vector<400x128xf32>
    %dot_general3A_30 = tpu.matmul %max3A_26, %get3A_29, %dot_general3A {dimension_numbers = #tpu.dot_dimension_numbers<[1], [0], [0], [1], [0, 0, 1, 1], [], []>, transpose_lhs_hint = false} : vector<400x128xf32>, vector<128x128xf32>, vector<400x128xf32> -> vector<400x128xf32>
    %mul3A_31 = vector.broadcast %rsqrt3A : vector<400x1xf32> to vector<400x128xf32>
    %mul3A_32 = arith.mulf %dot_general3A_30, %mul3A_31 : vector<400x128xf32>
    %swap3A = arith.constant 0 : index
    %swap3A_33 = arith.constant 0 : index
    %swap3A_34 = vector.load %arg8[%swap3A, %swap3A_33] : memref<400x128xf32, #tpu.memory_space<vmem>>, vector<400x128xf32>
    tpu.vector_store %arg8[%swap3A, %swap3A_33], %mul3A_32 {strides = array<i32>} : memref<400x128xf32, #tpu.memory_space<vmem>>, vector<400x128xf32>,
    return
  }
  func.func @transform_0(%arg0: i32) -> (i32, i32) {
    %c0_i32 = arith.constant 0 : i32
    %c0_i32_0 = arith.constant 0 : i32
    return %arg0, %c0_i32 : i32, i32
  }
  func.func @transform_1(%arg0: i32) -> (i32, i32) {
    %c0_i32 = arith.constant 0 : i32
    %c0_i32_0 = arith.constant 0 : i32
    return %arg0, %c0_i32 : i32, i32
  }
  func.func @transform_2(%arg0: i32) -> (i32, i32) {
    %c0_i32 = arith.constant 0 : i32
    %c0_i32_0 = arith.constant 0 : i32
    return %arg0, %c0_i32 : i32, i32
  }
  func.func @transform_3(%arg0: i32) -> (i32, i32) {
    %c0_i32 = arith.constant 0 : i32
    %c0_i32_0 = arith.constant 0 : i32
    return %arg0, %c0_i32 : i32, i32
  }
  func.func @transform_4(%arg0: i32) -> (i32, i32) {
    %c0_i32 = arith.constant 0 : i32
    %c0_i32_0 = arith.constant 0 : i32
    return %arg0, %c0_i32 : i32, i32
  }
  func.func @transform_5(%arg0: i32) -> (i32, i32) {
    %c0_i32 = arith.constant 0 : i32
    %c0_i32_0 = arith.constant 0 : i32
    %c0_i32_1 = arith.constant 0 : i32
    return %c0_i32, %c0_i32_0 : i32, i32
  }
  func.func @transform_6(%arg0: i32) -> (i32, i32) {
    %c0_i32 = arith.constant 0 : i32
    %c0_i32_0 = arith.constant 0 : i32
    %c0_i32_1 = arith.constant 0 : i32
    return %c0_i32, %c0_i32_0 : i32, i32
  }
  func.func @transform_7(%arg0: i32) -> (i32, i32) {
    %c0_i32 = arith.constant 0 : i32
    %c0_i32_0 = arith.constant 0 : i32
    return %arg0, %c0_i32 : i32, i32
  }
}

module attributes {stable_mosaic.version = 14 : i64} {
  func.func @_tc3_body(%arg0: i32, %arg1: memref<400x128xf32, #tpu.memory_space<vmem>>, %arg2: memref<400x128xf32, #tpu.memory_space<vmem>>, %arg3: memref<400x128xf32, #tpu.memory_space<vmem>>, %arg4: memref<400x16xf32, #tpu.memory_space<vmem>>, %arg5: memref<400x16xf32, #tpu.memory_space<vmem>>, %arg6: memref<1x128xf32, #tpu.memory_space<vmem>>, %arg7: memref<400x128xf32, #tpu.memory_space<vmem>>) attributes {dimension_semantics = [#tpu.dimension_semantics<arbitrary>], iteration_bounds = array<i64: 25>, scalar_prefetch = 0 : i64, scratch_operands = 0 : i64, tpu.core_type = #tpu.core_type<tc>, window_params = [{transform_indices = @transform_0, window_bounds = array<i64: 400, 128>}, {transform_indices = @transform_1, window_bounds = array<i64: 400, 128>}, {transform_indices = @transform_2, window_bounds = array<i64: 400, 128>}, {transform_indices = @transform_3, window_bounds = array<i64: 400, 16>}, {transform_indices = @transform_4, window_bounds = array<i64: 400, 16>}, {pipeline_mode = #tpu.pipeline_mode<synchronous>, transform_indices = @transform_5, window_bounds = array<i64: 1, 128>}, {transform_indices = @transform_6, window_bounds = array<i64: 400, 128>}]} {
    %get3A = arith.constant 0 : index
    %get3A_0 = arith.constant 0 : index
    %get3A_1 = vector.load %arg4[%get3A, %get3A_0] : memref<400x16xf32, #tpu.memory_space<vmem>>, vector<400x1xf32>
    %get3A_2 = arith.constant 0 : index
    %get3A_3 = arith.constant 0 : index
    %get3A_4 = vector.load %arg5[%get3A_2, %get3A_3] : memref<400x16xf32, #tpu.memory_space<vmem>>, vector<400x1xf32>
    %add3A = arith.addf %get3A_1, %get3A_4 : vector<400x1xf32>
    %add3A_5 = arith.constant 1.000000e+00 : f32
    %add3A_6 = vector.broadcast %add3A_5 : f32 to vector<400x1xf32>
    %add3A_7 = arith.addf %add3A, %add3A_6 : vector<400x1xf32>
    %rsqrt3A = math.rsqrt %add3A_7 : vector<400x1xf32>
    %get3A_8 = arith.constant 0 : index
    %get3A_9 = arith.constant 0 : index
    %get3A_10 = vector.load %arg1[%get3A_8, %get3A_9] : memref<400x128xf32, #tpu.memory_space<vmem>>, vector<400x128xf32>
    %get3A_11 = arith.constant 0 : index
    %get3A_12 = arith.constant 0 : index
    %get3A_13 = vector.load %arg2[%get3A_11, %get3A_12] : memref<400x128xf32, #tpu.memory_space<vmem>>, vector<400x128xf32>
    %add3A_14 = arith.addf %get3A_10, %get3A_13 : vector<400x128xf32>
    %get3A_15 = arith.constant 0 : index
    %get3A_16 = arith.constant 0 : index
    %get3A_17 = vector.load %arg3[%get3A_15, %get3A_16] : memref<400x128xf32, #tpu.memory_space<vmem>>, vector<400x128xf32>
    %add3A_18 = arith.addf %add3A_14, %get3A_17 : vector<400x128xf32>
    %mul3A = vector.broadcast %rsqrt3A : vector<400x1xf32> to vector<400x128xf32>
    %mul3A_19 = arith.mulf %add3A_18, %mul3A : vector<400x128xf32>
    %get3A_20 = arith.constant 0 : index
    %get3A_21 = arith.constant 0 : index
    %get3A_22 = vector.load %arg6[%get3A_20, %get3A_21] : memref<1x128xf32, #tpu.memory_space<vmem>>, vector<1x128xf32>
    %add3A_23 = vector.broadcast %get3A_22 : vector<1x128xf32> to vector<400x128xf32>
    %add3A_24 = arith.addf %mul3A_19, %add3A_23 : vector<400x128xf32>
    %neg3A = arith.constant 0.000000e+00 : f32
    %neg3A_25 = vector.broadcast %neg3A : f32 to vector<400x128xf32>
    %neg3A_26 = arith.subf %neg3A_25, %add3A_24 : vector<400x128xf32>
    %exp3A = math.exp %neg3A_26 : vector<400x128xf32>
    %add3A_27 = arith.constant 1.000000e+00 : f32
    %add3A_28 = vector.broadcast %add3A_27 : f32 to vector<400x128xf32>
    %add3A_29 = arith.addf %add3A_28, %exp3A : vector<400x128xf32>
    %div3A = arith.constant 1.000000e+00 : f32
    %div3A_30 = vector.broadcast %div3A : f32 to vector<400x128xf32>
    %div3A_31 = arith.divf %div3A_30, %add3A_29 : vector<400x128xf32>
    %iota3A = tpu.iota {dimensions = array<i32: 1>} : vector<400x128xi32>
    %ge3A = arith.constant 123 : i32
    %ge3A_32 = vector.broadcast %ge3A : i32 to vector<400x128xi32>
    %ge3A_33 = arith.cmpi sge, %iota3A, %ge3A_32 : vector<400x128xi32>
    %jit3A = arith.constant 1.000000e+00 : f32
    %broadcast_in_dim3A = vector.broadcast %jit3A : f32 to vector<400x128xf32>
    %select_n3A = arith.select %ge3A_33, %broadcast_in_dim3A, %div3A_31 : vector<400x128xi1>, vector<400x128xf32>
    %swap3A = arith.constant 0 : index
    %swap3A_34 = arith.constant 0 : index
    %swap3A_35 = vector.load %arg7[%swap3A, %swap3A_34] : memref<400x128xf32, #tpu.memory_space<vmem>>, vector<400x128xf32>
    tpu.vector_store %arg7[%swap3A, %swap3A_34], %select_n3A {strides = array<i32>} : memref<400x128xf32, #tpu.memory_space<vmem>>, vector<400x128xf32>,
    return
  }
  func.func @transform_0(%arg0: i32) -> (i32, i32) {
    %c0_i32 = arith.constant 0 : i32
    %c0_i32_0 = arith.constant 0 : i32
    return %arg0, %c0_i32 : i32, i32
  }
  func.func @transform_1(%arg0: i32) -> (i32, i32) {
    %c0_i32 = arith.constant 0 : i32
    %c0_i32_0 = arith.constant 0 : i32
    return %arg0, %c0_i32 : i32, i32
  }
  func.func @transform_2(%arg0: i32) -> (i32, i32) {
    %c0_i32 = arith.constant 0 : i32
    %c0_i32_0 = arith.constant 0 : i32
    return %arg0, %c0_i32 : i32, i32
  }
  func.func @transform_3(%arg0: i32) -> (i32, i32) {
    %c0_i32 = arith.constant 0 : i32
    %c0_i32_0 = arith.constant 0 : i32
    return %arg0, %c0_i32 : i32, i32
  }
  func.func @transform_4(%arg0: i32) -> (i32, i32) {
    %c0_i32 = arith.constant 0 : i32
    %c0_i32_0 = arith.constant 0 : i32
    return %arg0, %c0_i32 : i32, i32
  }
  func.func @transform_5(%arg0: i32) -> (i32, i32) {
    %c0_i32 = arith.constant 0 : i32
    %c0_i32_0 = arith.constant 0 : i32
    %c0_i32_1 = arith.constant 0 : i32
    return %c0_i32, %c0_i32_0 : i32, i32
  }
  func.func @transform_6(%arg0: i32) -> (i32, i32) {
    %c0_i32 = arith.constant 0 : i32
    %c0_i32_0 = arith.constant 0 : i32
    return %arg0, %c0_i32 : i32, i32
  }
}

</mosaic_0001>

<sc_bundles>
// kernel: kernel.11.cloned.1.call-start
scs
__scs_entry_jumppad:
0x0: {  	(pc) =	sbr.rel $0x88, $3  }
0x1: {  	(tag) =	ssettag $0x0;
	lr =	simm.s32 $0x1  }
0x2: {  	[smem:$0x3F9B] =	sst lr;
	_ =	strace $0xD0000000  }
0x3: {  	_ = 	snop  }
0x4: {  	_ = 	snop  }
0x5: {  	_ = 	snop  }
0x6: {  	_ = 	snop  }
0x7: {  	_ = 	snop  }
__scs_overlays_trampoline_lowered:
0x8: {  	[smem:$0x3FAA] =	sst s0  }
0x9: {  	[smem:$0x3FAB] =	sst s1  }
0xa: {  	[smem:$0x3FAC] =	sst s2  }
0xb: {  	[smem:$0x3FAD] =	sst s3  }
0xc: {  	[smem:$0x3FAE] =	sst s4  }
0xd: {  	[smem:$0x3FAF] =	sst s5  }
0xe: {  	[smem:$0x3FB0] =	sst s6  }
0xf: {  	[smem:$0x3FB1] =	sst s7  }
0x10: {  	[smem:$0x3FB2] =	sst s8  }
0x11: {  	[smem:$0x3FB3] =	sst s9;
	s0 =	simm.s32 @!p0 $0x0  }
0x12: {  	s1 =	sld [smem:$0x3F99];
	s0 =	simm.s32 @p0 $0x1  }
0x13: {  	[smem:$0x3FB4] =	sst s0;
	s0 =	simm.s32 @!p1 $0x0  }
0x14: {  	s2 =	sld [smem:$0x3F98];
	s0 =	simm.s32 @p1 $0x1  }
0x15: {  	[smem:$0x3FB5] =	sst s0;
	s0 =	simm.s32 @!p2 $0x0  }
0x16: {  	s3 =	sld [smem:$0x3FDB];
	s0 =	simm.s32 @p2 $0x1  }
0x17: {  	s4 =	simm.s32 $0x1BF5;
	[smem:$0x3FB7] =	sst s0  }
0x18: {  	s0 =	sld [smem:$0x3F9A];
	_ =	swait.ge [sflag:s4], $0x0  }
0x19: {  	s7 =	sld [smem:$0x3F9B]  }
0x1a: {  	s8 =	sadd.s32 $0xFFFFE003, lr  }
0x1b: {  	s9 =	sadd.s32 $0xFFFFFEF7, lr;
	s5 =	simm.s32 $0xFFFFFFFF;
	p2 =	slt.u32 s8, $0xFFFFF086  }
0x1c: {  	p1 =	slt.u32 s9, $0xF7A;
	s5 =	simm.s32 @!p2 $0x0  }
0x1d: {  	s5 =	simm.s32 @p1 $0x1;
	p0 =	seq.s32 s7, s2  }
0x1e: {  	s7 =	smul.u32 @!p0 $0xF7A, s2;
	p2 =	seq.s32 @!p0 s5, $0x0  }
0x1f: {  	s9 =	smul.u32 $0xF7A, s1;
	s8 =	simm.s32 @!p0 $0x1BF5;
	p2 =	por !p2, p0  }
0x20: {  	[sflag:s8] =	ssyncset.s32 @!p0 $0xFFFFF086;
	s6 =	sadd.s32 @!p0 s3, s7;
	s7 =	simm.s32 @!p0 $0x108  }
0x21: {  	s3 =	sadd.s32 s3, s9;
	s6 =	sadd.s32 @!p0 $0x88, s6;
	s7 =	simm.s32 @p2 $0x1082  }
0x22: {  	[simem:s7], [sflag:s8] =	dma.local @!p0 [hbm:s6], $0xF7A  }
0x23: {  	s9 =	sor.u32 $0xD0000000, s2;
	s6 =	simm.s32 $0x108;
	_ =	swait.ge @!p0 [sflag:s8], $0x0  }
0x24: {  	s3 =	sadd.s32 $0x88, s3;
	s6 =	simm.s32 @!p1 $0x1082;
	[sflag:s4] =	ssyncset.s32 $0xFFFFF086  }
0x25: {  	[simem:s6], [sflag:s4] =	dma.local [hbm:s3], $0xF7A  }
0x26: {  	[smem:$0x3F9B] =	sst s1;
	(tag) =	ssettag s2;
	_ =	strace s9  }
0x27: {  	s1 =	sld [smem:$0x3FAB]  }
0x28: {  	s2 =	sld [smem:$0x3FAC]  }
0x29: {  	s4 =	sld [smem:$0x3FAE]  }
0x2a: {  	p0 =	seq.s32 s5, $0x0;
	s5 =	sld [smem:$0x3FAF]  }
0x2b: {  	s6 =	sld [smem:$0x3FB0]  }
0x2c: {  	s7 =	sld [smem:$0x3FB1]  }
0x2d: {  	s3 =	simm.s32 $0x108;
	s8 =	sld [smem:$0x3FB2]  }
0x2e: {  	s3 =	simm.s32 @!p0 $0x1082;
	s9 =	sld [smem:$0x3FB3]  }
0x2f: {  	lr =	sadd.s32 s0, s3;
	s0 =	sld [smem:$0x3FAA]  }
0x30: {  	s3 =	sld [smem:$0x3FAD]  }
0x31: {  	[smem:$0x3FB6] =	sst s10  }
0x32: {  	s10 =	sld [smem:$0x3FB4];
	_ =	sdelay $0x3  }
0x33: {  	p0 =	seq.s32 s10, $0x1;
	s10 =	sld [smem:$0x3FB6];
	_ =	sdelay $0x3  }
0x34: {  	[smem:$0x3FB6] =	sst s10  }
0x35: {  	s10 =	sld [smem:$0x3FB5];
	_ =	sdelay $0x3  }
0x36: {  	p1 =	seq.s32 s10, $0x1;
	s10 =	sld [smem:$0x3FB6];
	_ =	sdelay $0x3  }
0x37: {  	[smem:$0x3FB6] =	sst s10  }
0x38: {  	s10 =	sld [smem:$0x3FB7]  }
0x39: {  	_ = 	snop;
	(pc) =	sbr.ind lr, $3  }
0x3a: {  	_ = 	snop  }
0x3b: {  	_ = 	snop  }
0x3c: {  	p2 =	seq.s32 s10, $0x1;
	s10 =	sld [smem:$0x3FB6]  }
0x3d: {  	_ =	shalt  }
0x3e: {  	_ =	shalt  }
0x3f: {  	_ =	shalt  }
0x40: {  	_ =	shalt  }
0x41: {  	_ =	shalt  }
0x42: {  	_ =	shalt  }
0x43: {  	_ =	shalt  }
0x44: {  	_ =	shalt  }
0x45: {  	_ =	shalt  }
0x46: {  	_ =	shalt  }
0x47: {  	_ =	shalt  }
0x48: {  	_ =	shalt  }
0x49: {  	_ =	shalt  }
0x4a: {  	_ =	shalt  }
0x4b: {  	_ =	shalt  }
0x4c: {  	_ =	shalt  }
0x4d: {  	_ =	shalt  }
0x4e: {  	_ =	shalt  }
0x4f: {  	_ =	shalt  }
0x50: {  	_ =	shalt  }
0x51: {  	_ =	shalt  }
0x52: {  	_ =	shalt  }
0x53: {  	_ =	shalt  }
0x54: {  	_ =	shalt  }
0x55: {  	_ =	shalt  }
0x56: {  	_ =	shalt  }
0x57: {  	_ =	shalt  }
0x58: {  	_ =	shalt  }
0x59: {  	_ =	shalt  }
0x5a: {  	_ =	shalt  }
0x5b: {  	_ =	shalt  }
0x5c: {  	_ =	shalt  }
0x5d: {  	_ =	shalt  }
0x5e: {  	_ =	shalt  }
0x5f: {  	_ =	shalt  }
0x60: {  	_ =	shalt  }
0x61: {  	_ =	shalt  }
0x62: {  	_ =	shalt  }
0x63: {  	_ =	shalt  }
0x64: {  	_ =	shalt  }
0x65: {  	_ =	shalt  }
0x66: {  	_ =	shalt  }
0x67: {  	_ =	shalt  }
0x68: {  	_ =	shalt  }
0x69: {  	_ =	shalt  }
0x6a: {  	_ =	shalt  }
0x6b: {  	_ =	shalt  }
0x6c: {  	_ =	shalt  }
0x6d: {  	_ =	shalt  }
0x6e: {  	_ =	shalt  }
0x6f: {  	_ =	shalt  }
0x70: {  	_ =	shalt  }
0x71: {  	_ =	shalt  }
0x72: {  	_ =	shalt  }
0x73: {  	_ =	shalt  }
0x74: {  	_ =	shalt  }
0x75: {  	_ =	shalt  }
0x76: {  	_ =	shalt  }
0x77: {  	_ =	shalt  }
0x78: {  	_ =	shalt  }
0x79: {  	_ =	shalt  }
0x7a: {  	_ =	shalt  }
0x7b: {  	_ =	shalt  }
0x7c: {  	_ =	shalt  }
0x7d: {  	_ =	shalt  }
0x7e: {  	_ =	shalt  }
0x7f: {  	_ =	shalt  }
0x80: {  	_ =	shalt  }
0x81: {  	_ =	shalt  }
0x82: {  	_ =	shalt  }
0x83: {  	_ =	shalt  }
0x84: {  	_ =	shalt  }
0x85: {  	_ =	shalt  }
0x86: {  	_ =	shalt  }
0x87: {  	_ =	shalt  }
.Lfunc_end0:
.L_simem_size_0:
called_computation.1_lowered:
.L_overlay_start_0:
0x88: {  	s2 =	sld [smem:$0x3FD9]  }
0x89: {  	s3 =	sld [smem:$0x3FFE];
	_ =	sdelay $0x1  }
0x8a: {  	s1 =	srdreg.scid  }
0x8b: {  	s0 =	sand.u32 $0x1, s1  }
0x8c: {  	s17 =	sshll.u32 s0, $0xA;
	s2 =	sadd.s32 s3, s2  }
0x8d: {  	s2 =	sadd.s32 s2, s17  }
0x8e: {  	[smem:$0x3FC2] =	sst s2  }
0x8f: {  	_ = 	snop  }
0x90: {  	s2 =	sld [smem:$0x3FD0];
	(tm) =	ssettm $0x1  }
0x91: {  	s18 =	sld [smem:$0x3FFB];
	_ =	sdelay $0x3  }
0x92: {  	_ =	strace s18  }
0x93: {  	s3 =	sld [smem:$0x3FFC];
	_ =	sdelay $0x3  }
0x94: {  	_ =	strace s3  }
0x95: {  	s3 =	sld [smem:$0x3FFD];
	_ =	sdelay $0x3  }
0x96: {  	_ =	strace s3  }
0x97: {  	_ =	strace $0x8FFFFFFF  }
0x98: {  	s19 =	sld [smem:$0x3FDB];
	_ =	sdelay $0x1  }
0x99: {  	s4 =	simm.s32 $_scs_section_size  }
0x9a: {  	s5 =	simm.s32 $_size__tile_overlayer_lowered;
	s6 =	simm.s32 $_tile_overlayer_lowered  }
0x9b: {  	s22 =	simm.s32 $0x1BFF;
	s21 =	sshll.u32 s6, $0x1;
	s3 =	sadd.s32 s4, s19  }
0x9c: {  	s7 =	simm.s32 $0x0;
	s20 =	sshll.u32 s5, $0x1;
	s5 =	sadd.s32 s21, s3  }
0x9d: {  	[timem:s7], [sflag:s22] =	dma.local [hbm:s5], s20  }
0x9e: {  	_ =	swait.ge [sflag:s22], s20  }
0x9f: {  	s4 =	ssub.s32 $0x0, s20;
	[sflag:s22] =	ssyncset.done $0x0  }
0xa0: {  	[sflag:s22] =	ssyncadd.s32 s4;
	_ =	sdelay $0x1  }
0xa1: {  	s23 =	simm.s32 $0x1B8B  }
0xa2: {  	_ =	swait.ge [sflag:s23], $0x1  }
0xa3: {  	[sflag:s23] =	ssyncset.done $0x0  }
0xa4: {  	s25 =	simm.s32 $0x1B8E;
	s24 =	sld [smem:$0x3FFE];
	[sflag:s23] =	ssyncadd.s32 $0xFFFFFFFF  }
0xa5: {  	s26 =	simm.s32 $execute0_lowered;
	[smem:$0x3FD2] =	sst s25  }
0xa6: {  	s5 =	sshll.u32 s26, $0x1;
	_ =	strace $0x80000049;
	[dreg:$0x1] =	wrdreg $0xFFFFFFFF  }
0xa7: {  	s28 =	simm.s32 $_size_execute0_lowered;
	s3 =	sadd.s32 s3, s5;
	[dreg:$0x0] =	wrdreg $0x0  }
0xa8: {  	s5 =	sshll.u32 s28, $0x1;
	[dreg:$0x2] =	wrdreg s3  }
0xa9: {  	[dreg:$0x3] =	wrdreg s5  }
0xaa: {  	[dreg:$0x4] =	wrdreg $0xC0  }
0xab: {  	_ =	task [dreg:s7], $0x5FFFF  }
0xac: {  	[dreg:$0x1] =	wrdreg $0xFFFFFFFF  }
0xad: {  	[dreg:$0x0] =	wrdreg $0x60  }
0xae: {  	[dreg:$0x2] =	wrdreg s24  }
0xaf: {  	[dreg:$0x3] =	wrdreg s2  }
0xb0: {  	[dreg:$0x4] =	wrdreg $0x51000  }
0xb1: {  	[dreg:$0x5] =	wrdreg $0x9  }
0xb2: {  	_ =	task.clear_ibuf [dreg:s7], $0x6FFFF;
	_ =	strace $0x90000049  }
0xb3: {  	s29 =	simm.s32 $0x9;
	_ =	strace $0x8000004B  }
0xb4: {  	_ =	swait.ge [sflag:s29], $0x1  }
0xb5: {  	[sflag:s29] =	ssyncadd.s32 $0xFFFFFFFF  }
0xb6: {  	_ =	strace $0x9000004B  }
0xb7: {  	_ =	sfence  }
0xb8: {  	s30 =	sld [smem:$0x0];
	_ =	sdelay $0x2  }
0xb9: {  	s31 =	sshll.u32 s1, $0xD;
	s1 =	sshrl.u32 s1, $0x2  }
0xba: {  	s3 =	sand.u32 $0x4000, s31;
	s1 =	sadd.s32 s1, s30  }
0xbb: {  	s0 =	sor.u32 s3, s0;
	s1 =	sshll.u32 s1, $0x11  }
0xbc: {  	s0 =	sor.u32 s1, s0  }
0xbd: {  	s0 =	sadd.s32 $0x8F2B, s0  }
0xbe: {  	[sflag:s0] =	ssyncadd.remote.s32 $0x1  }
0xbf: {  	_ =	sfence.sel $0xFFFF  }
0xc0: {  	[dreg:$0x0] =	wrdreg $0xFFFFFFFF;
	(pc) =	sbr.abs _section_cstart, $3  }
0xc1: {  	[dreg:$0x1] =	wrdreg $0xFFFFFFFF  }
0xc2: {  	_ =	task.clear_ibuf [dreg:s7], $0x2FFFF;
	_ =	strace $0x9FFFFFFF  }
0xc3: {  	(tm) =	ssettm $0x7FFFFFFF  }
tec
execute0_lowered:
.L_overlay_start_1:
0x0: {  	(tag) =	ssettag $0x1  }
0x1: {  	s0 =	srdreg.scid;
	s1 =	rddreg [dreg:$0x0]  }
0x2: {  	s14 =	stileid.u32;
	s2 =	rddreg [dreg:$0x1]  }
0x3: {  	s3 =	rddreg [dreg:$0x2];
	s5 =	smul.u32 $0x4E20, s14  }
0x4: {  	s4 =	simm.s32 $0x0;
	s0 =	sand.u32 $0x1, s0;
	s7 =	smul.u32 $0xA000, s14  }
0x5: {  	s28 =	simm.s32 $0x50;
	s12 =	sor.u32 $0x10, s14;
	s6 =	smul.u32 $0x2710, s0  }
0x6: {  	s29 =	simm.s32 $0x100;
	s30 =	simm.s32 $0x1;
	s20 =	smul.u32 $0xA000, s12  }
0x7: {  	s22 =	sor.u32 $0x20, s14;
	s17 =	ssub.s32 $0x2, s0;
	s0 =	smul.u32 $0x138800, s0  }
0x8: {  	s31 =	simm.s32 $0x0;
	s15 =	sor.u32 $0x30, s14;
	s9 =	smul.u32 $0xA000, s22  }
0x9: {  	[smem:$0x7FF] =	sst s4;
	s16 =	sor.u32 $0x40, s14;
	s25 =	smul.u32 $0xA000, s15  }
0xa: {  	s21 =	sadd.s32 $0x65400, s1;
	_ =	strace $0x8000004A;
	s10 =	smul.u32 $0xA000, s16  }
0xb: {  	s18 =	sshrl.u32 s17, $0x1;
	s7 =	sshrl.u32 s7, $0x2;
	s5 =	sadd.s32 s6, s5  }
0xc: {  	s19 =	ssub.s32 s17, s18;
	s8 =	sshrl.u32 s20, $0x2;
	s6 =	sadd.s32 s7, s3  }
0xd: {  	s24 =	sshrl.u32 s9, $0x2;
	s17 =	sor.u32 $0x50, s14;
	s20 =	smul.u32 $0x2800, s12  }
0xe: {  	s9 =	sshrl.u32 s25, $0x2;
	s18 =	sor.u32 $0x60, s14;
	s25 =	smul.u32 $0x2800, s16  }
0xf: {  	s10 =	sshrl.u32 s10, $0x2;
	s5 =	sshrl.u32 s5, $0x3;
	s11 =	smul.u32 $0xA000, s17  }
0x10: {  	s7 =	sadd.s32 s8, s3;
	s8 =	sadd.s32 s24, s3;
	s13 =	smul.u32 $0xA000, s18  }
0x11: {  	s9 =	sadd.s32 s9, s3;
	s24 =	sor.u32 $0x70, s14;
	s14 =	smul.u32 $0x2800, s14  }
0x12: {  	s10 =	sadd.s32 s10, s3;
	s23 =	sadd.s32 s5, s1;
	s1 =	smax.u32 s19, $0x1  }
0x13: {  	s19 =	smul.u32 $0xA000, s24;
	s5 =	sadd.s32 s0, s20;
	p0 =	sgt.u32 s24, $0x7C  }
0x14: {  	[dreg:$0x4] =	wrdreg s1;
	s11 =	sshrl.u32 s11, $0x2;
	s13 =	sshrl.u32 s13, $0x2  }
0x15: {  	s14 =	sadd.s32 s0, s14;
	s1 =	smul.u32 $0x2800, s22;
	s22 =	sshrl.u32 s5, $0x3  }
0x16: {  	s5 =	smul.u32 $0x2800, s17;
	s11 =	sadd.s32 s11, s3;
	s14 =	sshrl.u32 s14, $0x3  }
0x17: {  	s19 =	sshrl.u32 s19, $0x2;
	s26 =	sadd.s32 s21, s14;
	s14 =	smul.u32 $0x2800, s15  }
0x18: {  	s12 =	sadd.s32 s13, s3;
	s13 =	sadd.s32 s19, s3;
	s15 =	smul.u32 $0x2800, s18  }
0x19: {  	s1 =	sadd.s32 s0, s1;
	s19 =	sadd.s32 s0, s25;
	s25 =	smul.u32 $0x2800, s24  }
0x1a: {  	s24 =	simm.s32 $0x2900;
	[dreg:$0x5] =	wrdreg s26;
	s26 =	sadd.s32 s21, s22  }
0x1b: {  	s1 =	sshrl.u32 s1, $0x3;
	s22 =	sshrl.u32 s19, $0x3;
	[dreg:$0x6] =	wrdreg s26  }
0x1c: {  	s16 =	sadd.s32 s21, s1;
	s14 =	sadd.s32 s0, s14;
	s18 =	sadd.s32 s21, s22  }
0x1d: {  	s1 =	sadd.s32 s0, s5;
	s20 =	sadd.s32 s0, s15;
	s0 =	sadd.s32 s0, s25  }
0x1e: {  	s22 =	sadd.s32 $0x3400, s23;
	s23 =	sadd.s32 $0xD200, s23;
	s25 =	simm.s32 $0x2  }
0x1f: {  	s17 =	sshrl.u32 s14, $0x3;
	s1 =	sshrl.u32 s1, $0x3;
	s26 =	sshrl.u32 s20, $0x3  }
0x20: {  	s0 =	sshrl.u32 s0, $0x3;
	s17 =	sadd.s32 s21, s17;
	s19 =	sadd.s32 s21, s1  }
0x21: {  	v0 =	vimm.f32 $0.0e+00;
	s20 =	sadd.s32 s21, s26;
	s21 =	sadd.s32 s21, s0;
	s26 =	simm.s32 $0x80  }
.LBB2_1:
0x22: {  	s1 =	simm.s32 $0x70;
	s0 =	simm.s32 $0x3C0  }
.LBB2_2:
0x23: {  	p1 =	sne.s32 s0, $0x9FC0;
	[tilespmem:s1+$0x2900] =	vst v0  }
0x24: {  	[tilespmem:s1+$0x2890] =	vst v0  }
0x25: {  	[tilespmem:s1+$0x28A0] =	vst v0  }
.Ltmp0:
0x26: {  	[tilespmem:s1+$0x28B0] =	vst v0;
	(pc) =	sbr.rel @p1 .LBB2_2-.Ltmp0, $4  }
0x27: {  	[tilespmem:s1+$0x28C0] =	vst v0  }
0x28: {  	[tilespmem:s1+$0x28D0] =	vst v0  }
0x29: {  	[tilespmem:s1+$0x28E0] =	vst v0  }
0x2a: {  	[tilespmem:s1+$0x28F0] =	vst v0;
	s1 =	sshra.s32 s0, $0x2;
	s0 =	sadd.s32 $0x200, s0  }
0x2b: {  	[tilespmem:s1+$0x2900] =	vst v0  }
0x2c: {  	[tilespmem:s1+$0x2890] =	vst v0  }
0x2d: {  	[tilespmem:s1+$0x28A0] =	vst v0  }
0x2e: {  	[tilespmem:s1+$0x28B0] =	vst v0  }
0x2f: {  	[tilespmem:s1+$0x28C0] =	vst v0  }
0x30: {  	[tilespmem:s1+$0x28D0] =	vst v0  }
0x31: {  	[tilespmem:s1+$0x28E0] =	vst v0  }
0x32: {  	[tilespmem:s1+$0x28F0] =	vst v0  }
0x33: {  	[spmem:s6] =	stream.linear.scatter [tilespmem:s24], [sflag:$0x2], $0x2800, $0x38;
	[tilespmem:$0x18980] =	vst v63  }
0x34: {  	_ =	swait.ge [sflag:s25], $0x2800  }
0x35: {  	[sflag:s25] =	ssyncset.done $0x0  }
0x36: {  	[sflag:s25] =	ssyncadd.s32 $0xFFFFD800  }
0x37: {  	[spmem:s7] =	stream.linear.scatter [tilespmem:s24], [sflag:$0x2], $0x2800, $0x38;
	[tilespmem:$0x18980] =	vst v63  }
0x38: {  	_ =	swait.ge [sflag:s25], $0x2800  }
0x39: {  	[sflag:s25] =	ssyncset.done $0x0  }
0x3a: {  	[sflag:s25] =	ssyncadd.s32 $0xFFFFD800  }
0x3b: {  	[spmem:s8] =	stream.linear.scatter [tilespmem:s24], [sflag:$0x2], $0x2800, $0x38;
	[tilespmem:$0x18980] =	vst v63  }
0x3c: {  	_ =	swait.ge [sflag:s25], $0x2800  }
0x3d: {  	[sflag:s25] =	ssyncset.done $0x0  }
0x3e: {  	[sflag:s25] =	ssyncadd.s32 $0xFFFFD800  }
0x3f: {  	[spmem:s9] =	stream.linear.scatter [tilespmem:s24], [sflag:$0x2], $0x2800, $0x38;
	[tilespmem:$0x18980] =	vst v63  }
0x40: {  	_ =	swait.ge [sflag:s25], $0x2800  }
0x41: {  	[sflag:s25] =	ssyncset.done $0x0  }
0x42: {  	[sflag:s25] =	ssyncadd.s32 $0xFFFFD800  }
0x43: {  	[spmem:s10] =	stream.linear.scatter [tilespmem:s24], [sflag:$0x2], $0x2800, $0x38;
	[tilespmem:$0x18980] =	vst v63  }
0x44: {  	_ =	swait.ge [sflag:s25], $0x2800  }
0x45: {  	[sflag:s25] =	ssyncset.done $0x0  }
0x46: {  	[sflag:s25] =	ssyncadd.s32 $0xFFFFD800  }
0x47: {  	[spmem:s11] =	stream.linear.scatter [tilespmem:s24], [sflag:$0x2], $0x2800, $0x38;
	[tilespmem:$0x18980] =	vst v63  }
0x48: {  	_ =	swait.ge [sflag:s25], $0x2800  }
0x49: {  	[sflag:s25] =	ssyncset.done $0x0  }
0x4a: {  	[sflag:s25] =	ssyncadd.s32 $0xFFFFD800  }
0x4b: {  	[spmem:s12] =	stream.linear.scatter [tilespmem:s24], [sflag:$0x2], $0x2800, $0x38;
	[tilespmem:$0x18980] =	vst v63  }
0x4c: {  	_ =	swait.ge [sflag:s25], $0x2800  }
0x4d: {  	[sflag:s25] =	ssyncset.done $0x0  }
0x4e: {  	s0 =	simm.s32 @!p0 $0x2900;
	[sflag:s25] =	ssyncadd.s32 $0xFFFFD800  }
0x4f: {  	[spmem:s13] =	stream.linear.scatter @!p0 [tilespmem:s0], [sflag:$0x2], $0x2800, $0x38;
	[tilespmem:$0x18980] =	vst v63  }
0x50: {  	s0 =	simm.s32 @!p0 $0x2  }
0x51: {  	_ =	swait.ge @!p0 [sflag:s0], $0x2800  }
0x52: {  	[sflag:s0] =	ssyncset.done @!p0 $0x0  }
0x53: {  	[sflag:s0] =	ssyncadd.s32 @!p0 $0xFFFFD800  }
0x54: {  	s14 =	sadd.s32 $0x0, s23;
	[bflag:$0x0] =	sbarrier.arrive $0xFFFF  }
0x55: {  	[tilespmem:s4], [sflag:$0x2] =	stream.linear.gather [hbm4b:s14+s4], $0x50, $0x38;
	[tilespmem:$0x18980] =	vst v63  }
0x56: {  	_ =	swait.ge [sflag:s25], $0x50  }
0x57: {  	[sflag:s25] =	ssyncset.done $0x0  }
0x58: {  	s15 =	sadd.s32 $0x0, s22;
	[sflag:s25] =	ssyncadd.s32 $0xFFFFFFB0  }
0x59: {  	[tilespmem:s26], [sflag:$0x2] =	stream.linear.gather [hbm4b:s15+s4], $0x50, $0x38;
	[tilespmem:$0x18980] =	vst v63  }
0x5a: {  	_ =	swait.ge [sflag:s25], $0x50  }
0x5b: {  	[sflag:s25] =	ssyncset.done $0x0  }
0x5c: {  	[sflag:s25] =	ssyncadd.s32 $0xFFFFFFB0  }
0x5d: {  	[tilespmem:s29], [sflag:$0x1] =	stream.indirect.gather [hbm4b:s2+s28], $0x80, s4, s28, $0xb8;
	[tilespmem:$0x18980] =	vst v63  }
0x5e: {  	_ =	swait.ge [sflag:s30], $0x2800  }
0x5f: {  	[sflag:s30] =	ssyncset.done $0x0  }
0x60: {  	[sflag:s30] =	ssyncadd.s32 $0xFFFFD800  }
0x61: {  	[spmem:s3] =	stream.indirect.scatter.add.f32 [tilespmem:s29], [sflag:$0x2], $0x80, s26, s28, $0xb8;
	[tilespmem:$0x18980] =	vst v63  }
0x62: {  	_ =	swait.ge [sflag:s25], $0x2800  }
0x63: {  	s1 =	simm.s32 $0xA;
	s0 =	simm.s32 $0x14;
	[sflag:s25] =	ssyncset.done $0x0  }
.LBB2_4:
0x64: {  	s5 =	sadd.s32 s1, s23  }
0x65: {  	[sflag:s25] =	ssyncadd.s32 $0xFFFFD800;
	s14 =	smov.u32 s0;
	s15 =	sadd.s32 $0xA, s0  }
0x66: {  	[tilespmem:s4], [sflag:$0x2] =	stream.linear.gather [hbm4b:s5+s4], $0x50, $0x38;
	[tilespmem:$0x18980] =	vst v63  }
0x67: {  	p1 =	sne.s32 s0, $0x4D8;
	_ =	swait.ge [sflag:s25], $0x50  }
0x68: {  	[sflag:s25] =	ssyncset.done $0x0  }
0x69: {  	s0 =	sadd.s32 s1, s22;
	s1 =	smov.u32 s14;
	[sflag:s25] =	ssyncadd.s32 $0xFFFFFFB0  }
0x6a: {  	[tilespmem:s26], [sflag:$0x2] =	stream.linear.gather [hbm4b:s0+s4], $0x50, $0x38;
	[tilespmem:$0x18980] =	vst v63  }
0x6b: {  	_ =	swait.ge [sflag:s25], $0x50  }
0x6c: {  	[sflag:s25] =	ssyncset.done $0x0  }
0x6d: {  	[sflag:s25] =	ssyncadd.s32 $0xFFFFFFB0  }
0x6e: {  	[tilespmem:s29], [sflag:$0x1] =	stream.indirect.gather [hbm4b:s2+s28], $0x80, s4, s28, $0xb8;
	[tilespmem:$0x18980] =	vst v63  }
0x6f: {  	_ =	swait.ge [sflag:s30], $0x2800  }
.Ltmp1:
0x70: {  	[sflag:s30] =	ssyncset.done $0x0;
	(pc) =	sbr.rel @p1 .LBB2_4-.Ltmp1, $4  }
0x71: {  	[sflag:s30] =	ssyncadd.s32 $0xFFFFD800  }
0x72: {  	[spmem:s3] =	stream.indirect.scatter.add.f32 [tilespmem:s29], [sflag:$0x2], $0x80, s26, s28, $0xb8;
	[tilespmem:$0x18980] =	vst v63  }
0x73: {  	_ =	swait.ge [sflag:s25], $0x2800  }
0x74: {  	s0 =	smov.u32 s15;
	[sflag:s25] =	ssyncset.done $0x0  }
0x75: {  	s0 =	sadd.s32 s1, s23;
	[sflag:s25] =	ssyncadd.s32 $0xFFFFD800  }
0x76: {  	[tilespmem:s4], [sflag:$0x2] =	stream.linear.gather [hbm4b:s0+s4], $0x50, $0x38;
	[tilespmem:$0x18980] =	vst v63  }
0x77: {  	_ =	swait.ge [sflag:s25], $0x50  }
0x78: {  	[sflag:s25] =	ssyncset.done $0x0  }
0x79: {  	s5 =	sadd.s32 s1, s22;
	[sflag:s25] =	ssyncadd.s32 $0xFFFFFFB0  }
0x7a: {  	[tilespmem:s26], [sflag:$0x2] =	stream.linear.gather [hbm4b:s5+s4], $0x50, $0x38;
	[tilespmem:$0x18980] =	vst v63  }
0x7b: {  	_ =	swait.ge [sflag:s25], $0x50  }
0x7c: {  	[sflag:s25] =	ssyncset.done $0x0  }
0x7d: {  	[sflag:s25] =	ssyncadd.s32 $0xFFFFFFB0  }
0x7e: {  	[tilespmem:s29], [sflag:$0x1] =	stream.indirect.gather [hbm4b:s2+s28], $0x80, s4, s28, $0xb8;
	[tilespmem:$0x18980] =	vst v63  }
0x7f: {  	_ =	swait.ge [sflag:s30], $0x2800  }
0x80: {  	[sflag:s30] =	ssyncset.done $0x0  }
0x81: {  	[sflag:s30] =	ssyncadd.s32 $0xFFFFD800  }
0x82: {  	[spmem:s3] =	stream.indirect.scatter.add.f32 [tilespmem:s29], [sflag:$0x2], $0x80, s26, s28, $0xb8;
	[tilespmem:$0x18980] =	vst v63  }
0x83: {  	_ =	swait.ge [sflag:s25], $0x2800  }
0x84: {  	[sflag:s25] =	ssyncset.done $0x0  }
0x85: {  	s14 =	stileid.u32;
	[sflag:s25] =	ssyncadd.s32 $0xFFFFD800  }
0x86: {  	s0 =	sshll.u32 s14, $0x6;
	[bflag:$0x0] =	sbarrier.arrive $0xFFFF  }
0x87: {  	s15 =	sshrl.u32 s6, $0x3;
	s0 =	sor.u32 $0x1C02, s0;
	s5 =	rddreg [dreg:$0x5]  }
0x88: {  	[hbm:s5], [sflag:s0] =	dma.local [spmem:s15], $0x500  }
0x89: {  	_ =	swait.ge [sflag:s25], $0x500  }
0x8a: {  	[sflag:s25] =	ssyncset.done $0x0  }
0x8b: {  	s14 =	sshrl.u32 s7, $0x3;
	s15 =	rddreg [dreg:$0x6];
	[sflag:s25] =	ssyncadd.s32 $0xFFFFFB00  }
0x8c: {  	[hbm:s15], [sflag:s0] =	dma.local [spmem:s14], $0x500  }
0x8d: {  	_ =	swait.ge [sflag:s25], $0x500  }
0x8e: {  	[sflag:s25] =	ssyncset.done $0x0  }
0x8f: {  	s5 =	sshrl.u32 s8, $0x3;
	[sflag:s25] =	ssyncadd.s32 $0xFFFFFB00  }
0x90: {  	[hbm:s16], [sflag:s0] =	dma.local [spmem:s5], $0x500  }
0x91: {  	_ =	swait.ge [sflag:s25], $0x500  }
0x92: {  	[sflag:s25] =	ssyncset.done $0x0  }
0x93: {  	s14 =	sshrl.u32 s9, $0x3;
	[sflag:s25] =	ssyncadd.s32 $0xFFFFFB00  }
0x94: {  	[hbm:s17], [sflag:s0] =	dma.local [spmem:s14], $0x500  }
0x95: {  	_ =	swait.ge [sflag:s25], $0x500  }
0x96: {  	[sflag:s25] =	ssyncset.done $0x0  }
0x97: {  	s15 =	sshrl.u32 s10, $0x3;
	[sflag:s25] =	ssyncadd.s32 $0xFFFFFB00  }
0x98: {  	[hbm:s18], [sflag:s0] =	dma.local [spmem:s15], $0x500  }
0x99: {  	_ =	swait.ge [sflag:s25], $0x500  }
0x9a: {  	[sflag:s25] =	ssyncset.done $0x0  }
0x9b: {  	s5 =	sshrl.u32 s11, $0x3;
	[sflag:s25] =	ssyncadd.s32 $0xFFFFFB00  }
0x9c: {  	[hbm:s19], [sflag:s0] =	dma.local [spmem:s5], $0x500  }
0x9d: {  	_ =	swait.ge [sflag:s25], $0x500  }
0x9e: {  	[sflag:s25] =	ssyncset.done $0x0  }
0x9f: {  	s14 =	sshrl.u32 s12, $0x3;
	[sflag:s25] =	ssyncadd.s32 $0xFFFFFB00  }
0xa0: {  	[hbm:s20], [sflag:s0] =	dma.local [spmem:s14], $0x500  }
0xa1: {  	_ =	swait.ge [sflag:s25], $0x500  }
0xa2: {  	[sflag:s25] =	ssyncset.done $0x0  }
0xa3: {  	s1 =	sshrl.u32 @!p0 s13, $0x3;
	[sflag:s25] =	ssyncadd.s32 $0xFFFFFB00  }
0xa4: {  	[hbm:s21], [sflag:s0] =	dma.local @!p0 [spmem:s1], $0x500  }
0xa5: {  	s0 =	simm.s32 @!p0 $0x2  }
0xa6: {  	_ =	swait.ge @!p0 [sflag:s0], $0x500  }
0xa7: {  	s31 =	sadd.s32 $0x1, s31;
	s15 =	rddreg [dreg:$0x4]  }
0xa8: {  	p1 =	sne.s32 s31, s15  }
.Ltmp2:
0xa9: {  	_ = 	snop;
	(pc) =	sbr.rel @p1 .LBB2_1-.Ltmp2, $3  }
0xaa: {  	_ =	sdelay $0x1  }
0xab: {  	[sflag:s0] =	ssyncset.done @!p0 $0x0  }
0xac: {  	[sflag:s0] =	ssyncadd.s32 @!p0 $0xFFFFFB00  }
0xad: {  	_ =	sfence.sel $0x180000  }
0xae: {  	[bflag:$0x0] =	sbarrier.arrive $0xFFFF  }
0xaf: {  	_ =	strace $0x9000004A  }
0xb0: {  	s0 =	stileid.u32;
	[bflag:$0x2] =	sbarrier.arrive $0xFFFF  }
0xb1: {  	p0 =	sne.s32 s0, $0x0;
	s0 =	rddreg [dreg:$0x3]  }
0xb2: {  	s0 =	sadd.s32 @!p0 $0x100000, s0  }
0xb3: {  	[sflag:s0] =	ssyncadd.tile.s32 @!p0 $0x1;
	_ =	shalt  }
.Lfunc_end2:
_tile_overlayer_lowered:
.L_overlay_start_2:
0xb4: {  	(tag) =	ssettag $0x2  }
0xb5: {  	s0 =	rddreg [dreg:$0x0];
	s2 =	stileid.u32  }
0xb6: {  	s1 =	rddreg [dreg:$0x1];
	p0 =	sne.s32 s2, $0x0  }
0xb7: {  	s3 =	rddreg [dreg:$0x2];
	[bflag:$0x3] =	sbarrier.arrive $0xFFFF;
	s2 =	simm.s32 @!p0 $0x1C02  }
0xb8: {  	[timem:s3], [sflag:s2] =	dma.local @!p0 [hbm:s0], s1  }
0xb9: {  	s0 =	simm.s32 @!p0 $0x2  }
0xba: {  	_ =	swait.ge @!p0 [sflag:s0], s1  }
0xbb: {  	s1 =	ssub.s32 @!p0 $0x0, s1;
	[sflag:s0] =	ssyncset.done @!p0 $0x0  }
0xbc: {  	[sflag:s0] =	ssyncadd.s32 @!p0 s1  }
0xbd: {  	[bflag:$0x3] =	sbarrier.arrive $0xFFFF  }
0xbe: {  	_ =	shalt  }

// kernel: kernel.14.cloned.1.call-start
scs
__scs_entry_jumppad:
0x0: {  	(pc) =	sbr.rel $0x88, $3  }
0x1: {  	(tag) =	ssettag $0x0;
	lr =	simm.s32 $0x1  }
0x2: {  	[smem:$0x3F9B] =	sst lr;
	_ =	strace $0xD0000000  }
0x3: {  	_ = 	snop  }
0x4: {  	_ = 	snop  }
0x5: {  	_ = 	snop  }
0x6: {  	_ = 	snop  }
0x7: {  	_ = 	snop  }
__scs_overlays_trampoline_lowered:
0x8: {  	[smem:$0x3FAA] =	sst s0  }
0x9: {  	[smem:$0x3FAB] =	sst s1  }
0xa: {  	[smem:$0x3FAC] =	sst s2  }
0xb: {  	[smem:$0x3FAD] =	sst s3  }
0xc: {  	[smem:$0x3FAE] =	sst s4  }
0xd: {  	[smem:$0x3FAF] =	sst s5  }
0xe: {  	[smem:$0x3FB0] =	sst s6  }
0xf: {  	[smem:$0x3FB1] =	sst s7  }
0x10: {  	[smem:$0x3FB2] =	sst s8  }
0x11: {  	[smem:$0x3FB3] =	sst s9;
	s0 =	simm.s32 @!p0 $0x0  }
0x12: {  	s1 =	sld [smem:$0x3F99];
	s0 =	simm.s32 @p0 $0x1  }
0x13: {  	[smem:$0x3FB4] =	sst s0;
	s0 =	simm.s32 @!p1 $0x0  }
0x14: {  	s2 =	sld [smem:$0x3F98];
	s0 =	simm.s32 @p1 $0x1  }
0x15: {  	[smem:$0x3FB5] =	sst s0;
	s0 =	simm.s32 @!p2 $0x0  }
0x16: {  	s3 =	sld [smem:$0x3FDB];
	s0 =	simm.s32 @p2 $0x1  }
0x17: {  	s4 =	simm.s32 $0x1BF5;
	[smem:$0x3FB7] =	sst s0  }
0x18: {  	s0 =	sld [smem:$0x3F9A];
	_ =	swait.ge [sflag:s4], $0x0  }
0x19: {  	s7 =	sld [smem:$0x3F9B]  }
0x1a: {  	s8 =	sadd.s32 $0xFFFFE003, lr  }
0x1b: {  	s9 =	sadd.s32 $0xFFFFFEF7, lr;
	s5 =	simm.s32 $0xFFFFFFFF;
	p2 =	slt.u32 s8, $0xFFFFF086  }
0x1c: {  	p1 =	slt.u32 s9, $0xF7A;
	s5 =	simm.s32 @!p2 $0x0  }
0x1d: {  	s5 =	simm.s32 @p1 $0x1;
	p0 =	seq.s32 s7, s2  }
0x1e: {  	s7 =	smul.u32 @!p0 $0xF7A, s2;
	p2 =	seq.s32 @!p0 s5, $0x0  }
0x1f: {  	s9 =	smul.u32 $0xF7A, s1;
	s8 =	simm.s32 @!p0 $0x1BF5;
	p2 =	por !p2, p0  }
0x20: {  	[sflag:s8] =	ssyncset.s32 @!p0 $0xFFFFF086;
	s6 =	sadd.s32 @!p0 s3, s7;
	s7 =	simm.s32 @!p0 $0x108  }
0x21: {  	s3 =	sadd.s32 s3, s9;
	s6 =	sadd.s32 @!p0 $0x88, s6;
	s7 =	simm.s32 @p2 $0x1082  }
0x22: {  	[simem:s7], [sflag:s8] =	dma.local @!p0 [hbm:s6], $0xF7A  }
0x23: {  	s9 =	sor.u32 $0xD0000000, s2;
	s6 =	simm.s32 $0x108;
	_ =	swait.ge @!p0 [sflag:s8], $0x0  }
0x24: {  	s3 =	sadd.s32 $0x88, s3;
	s6 =	simm.s32 @!p1 $0x1082;
	[sflag:s4] =	ssyncset.s32 $0xFFFFF086  }
0x25: {  	[simem:s6], [sflag:s4] =	dma.local [hbm:s3], $0xF7A  }
0x26: {  	[smem:$0x3F9B] =	sst s1;
	(tag) =	ssettag s2;
	_ =	strace s9  }
0x27: {  	s1 =	sld [smem:$0x3FAB]  }
0x28: {  	s2 =	sld [smem:$0x3FAC]  }
0x29: {  	s4 =	sld [smem:$0x3FAE]  }
0x2a: {  	p0 =	seq.s32 s5, $0x0;
	s5 =	sld [smem:$0x3FAF]  }
0x2b: {  	s6 =	sld [smem:$0x3FB0]  }
0x2c: {  	s7 =	sld [smem:$0x3FB1]  }
0x2d: {  	s3 =	simm.s32 $0x108;
	s8 =	sld [smem:$0x3FB2]  }
0x2e: {  	s3 =	simm.s32 @!p0 $0x1082;
	s9 =	sld [smem:$0x3FB3]  }
0x2f: {  	lr =	sadd.s32 s0, s3;
	s0 =	sld [smem:$0x3FAA]  }
0x30: {  	s3 =	sld [smem:$0x3FAD]  }
0x31: {  	[smem:$0x3FB6] =	sst s10  }
0x32: {  	s10 =	sld [smem:$0x3FB4];
	_ =	sdelay $0x3  }
0x33: {  	p0 =	seq.s32 s10, $0x1;
	s10 =	sld [smem:$0x3FB6];
	_ =	sdelay $0x3  }
0x34: {  	[smem:$0x3FB6] =	sst s10  }
0x35: {  	s10 =	sld [smem:$0x3FB5];
	_ =	sdelay $0x3  }
0x36: {  	p1 =	seq.s32 s10, $0x1;
	s10 =	sld [smem:$0x3FB6];
	_ =	sdelay $0x3  }
0x37: {  	[smem:$0x3FB6] =	sst s10  }
0x38: {  	s10 =	sld [smem:$0x3FB7]  }
0x39: {  	_ = 	snop;
	(pc) =	sbr.ind lr, $3  }
0x3a: {  	_ = 	snop  }
0x3b: {  	_ = 	snop  }
0x3c: {  	p2 =	seq.s32 s10, $0x1;
	s10 =	sld [smem:$0x3FB6]  }
0x3d: {  	_ =	shalt  }
0x3e: {  	_ =	shalt  }
0x3f: {  	_ =	shalt  }
0x40: {  	_ =	shalt  }
0x41: {  	_ =	shalt  }
0x42: {  	_ =	shalt  }
0x43: {  	_ =	shalt  }
0x44: {  	_ =	shalt  }
0x45: {  	_ =	shalt  }
0x46: {  	_ =	shalt  }
0x47: {  	_ =	shalt  }
0x48: {  	_ =	shalt  }
0x49: {  	_ =	shalt  }
0x4a: {  	_ =	shalt  }
0x4b: {  	_ =	shalt  }
0x4c: {  	_ =	shalt  }
0x4d: {  	_ =	shalt  }
0x4e: {  	_ =	shalt  }
0x4f: {  	_ =	shalt  }
0x50: {  	_ =	shalt  }
0x51: {  	_ =	shalt  }
0x52: {  	_ =	shalt  }
0x53: {  	_ =	shalt  }
0x54: {  	_ =	shalt  }
0x55: {  	_ =	shalt  }
0x56: {  	_ =	shalt  }
0x57: {  	_ =	shalt  }
0x58: {  	_ =	shalt  }
0x59: {  	_ =	shalt  }
0x5a: {  	_ =	shalt  }
0x5b: {  	_ =	shalt  }
0x5c: {  	_ =	shalt  }
0x5d: {  	_ =	shalt  }
0x5e: {  	_ =	shalt  }
0x5f: {  	_ =	shalt  }
0x60: {  	_ =	shalt  }
0x61: {  	_ =	shalt  }
0x62: {  	_ =	shalt  }
0x63: {  	_ =	shalt  }
0x64: {  	_ =	shalt  }
0x65: {  	_ =	shalt  }
0x66: {  	_ =	shalt  }
0x67: {  	_ =	shalt  }
0x68: {  	_ =	shalt  }
0x69: {  	_ =	shalt  }
0x6a: {  	_ =	shalt  }
0x6b: {  	_ =	shalt  }
0x6c: {  	_ =	shalt  }
0x6d: {  	_ =	shalt  }
0x6e: {  	_ =	shalt  }
0x6f: {  	_ =	shalt  }
0x70: {  	_ =	shalt  }
0x71: {  	_ =	shalt  }
0x72: {  	_ =	shalt  }
0x73: {  	_ =	shalt  }
0x74: {  	_ =	shalt  }
0x75: {  	_ =	shalt  }
0x76: {  	_ =	shalt  }
0x77: {  	_ =	shalt  }
0x78: {  	_ =	shalt  }
0x79: {  	_ =	shalt  }
0x7a: {  	_ =	shalt  }
0x7b: {  	_ =	shalt  }
0x7c: {  	_ =	shalt  }
0x7d: {  	_ =	shalt  }
0x7e: {  	_ =	shalt  }
0x7f: {  	_ =	shalt  }
0x80: {  	_ =	shalt  }
0x81: {  	_ =	shalt  }
0x82: {  	_ =	shalt  }
0x83: {  	_ =	shalt  }
0x84: {  	_ =	shalt  }
0x85: {  	_ =	shalt  }
0x86: {  	_ =	shalt  }
0x87: {  	_ =	shalt  }
.Lfunc_end0:
.L_simem_size_0:
called_computation.2_lowered:
.L_overlay_start_0:
0x88: {  	s2 =	sld [smem:$0x3FD9]  }
0x89: {  	s3 =	sld [smem:$0x3FFE];
	_ =	sdelay $0x1  }
0x8a: {  	s1 =	srdreg.scid  }
0x8b: {  	s0 =	sand.u32 $0x1, s1  }
0x8c: {  	s17 =	sshll.u32 s0, $0xA;
	s2 =	sadd.s32 s3, s2  }
0x8d: {  	s2 =	sadd.s32 s2, s17  }
0x8e: {  	[smem:$0x3FC2] =	sst s2  }
0x8f: {  	_ = 	snop  }
0x90: {  	s2 =	sld [smem:$0x3FD0];
	(tm) =	ssettm $0x1  }
0x91: {  	s18 =	sld [smem:$0x3FFB];
	_ =	sdelay $0x3  }
0x92: {  	_ =	strace s18  }
0x93: {  	s3 =	sld [smem:$0x3FFC];
	_ =	sdelay $0x3  }
0x94: {  	_ =	strace s3  }
0x95: {  	s3 =	sld [smem:$0x3FFD];
	_ =	sdelay $0x3  }
0x96: {  	_ =	strace s3  }
0x97: {  	_ =	strace $0x8FFFFFFF  }
0x98: {  	s19 =	sld [smem:$0x3FDB];
	_ =	sdelay $0x1  }
0x99: {  	s4 =	simm.s32 $_scs_section_size  }
0x9a: {  	s5 =	simm.s32 $_size__tile_overlayer_lowered;
	s6 =	simm.s32 $_tile_overlayer_lowered  }
0x9b: {  	s22 =	simm.s32 $0x1BFF;
	s21 =	sshll.u32 s6, $0x1;
	s3 =	sadd.s32 s4, s19  }
0x9c: {  	s7 =	simm.s32 $0x0;
	s20 =	sshll.u32 s5, $0x1;
	s5 =	sadd.s32 s21, s3  }
0x9d: {  	[timem:s7], [sflag:s22] =	dma.local [hbm:s5], s20  }
0x9e: {  	_ =	swait.ge [sflag:s22], s20  }
0x9f: {  	s4 =	ssub.s32 $0x0, s20;
	[sflag:s22] =	ssyncset.done $0x0  }
0xa0: {  	[sflag:s22] =	ssyncadd.s32 s4;
	_ =	sdelay $0x1  }
0xa1: {  	s23 =	simm.s32 $0x1B8B  }
0xa2: {  	_ =	swait.ge [sflag:s23], $0x1  }
0xa3: {  	[sflag:s23] =	ssyncset.done $0x0  }
0xa4: {  	s25 =	simm.s32 $0x1B8E;
	s24 =	sld [smem:$0x3FFE];
	[sflag:s23] =	ssyncadd.s32 $0xFFFFFFFF  }
0xa5: {  	s26 =	simm.s32 $execute0_lowered;
	[smem:$0x3FD2] =	sst s25  }
0xa6: {  	s5 =	sshll.u32 s26, $0x1;
	_ =	strace $0x8000004C;
	[dreg:$0x1] =	wrdreg $0xFFFFFFFF  }
0xa7: {  	s28 =	simm.s32 $_size_execute0_lowered;
	s3 =	sadd.s32 s3, s5;
	[dreg:$0x0] =	wrdreg $0x0  }
0xa8: {  	s5 =	sshll.u32 s28, $0x1;
	[dreg:$0x2] =	wrdreg s3  }
0xa9: {  	[dreg:$0x3] =	wrdreg s5  }
0xaa: {  	[dreg:$0x4] =	wrdreg $0xC0  }
0xab: {  	_ =	task [dreg:s7], $0x5FFFF  }
0xac: {  	[dreg:$0x1] =	wrdreg $0xFFFFFFFF  }
0xad: {  	[dreg:$0x0] =	wrdreg $0x60  }
0xae: {  	[dreg:$0x2] =	wrdreg s24  }
0xaf: {  	[dreg:$0x3] =	wrdreg s2  }
0xb0: {  	[dreg:$0x4] =	wrdreg $0x51000  }
0xb1: {  	[dreg:$0x5] =	wrdreg $0x9  }
0xb2: {  	_ =	task.clear_ibuf [dreg:s7], $0x6FFFF;
	_ =	strace $0x9000004C  }
0xb3: {  	s29 =	simm.s32 $0x9;
	_ =	strace $0x8000004E  }
0xb4: {  	_ =	swait.ge [sflag:s29], $0x1  }
0xb5: {  	[sflag:s29] =	ssyncadd.s32 $0xFFFFFFFF  }
0xb6: {  	_ =	strace $0x9000004E  }
0xb7: {  	_ =	sfence  }
0xb8: {  	s30 =	sld [smem:$0x0];
	_ =	sdelay $0x2  }
0xb9: {  	s31 =	sshll.u32 s1, $0xD;
	s1 =	sshrl.u32 s1, $0x2  }
0xba: {  	s3 =	sand.u32 $0x4000, s31;
	s1 =	sadd.s32 s1, s30  }
0xbb: {  	s0 =	sor.u32 s3, s0;
	s1 =	sshll.u32 s1, $0x11  }
0xbc: {  	s0 =	sor.u32 s1, s0  }
0xbd: {  	s0 =	sadd.s32 $0x8F2B, s0  }
0xbe: {  	[sflag:s0] =	ssyncadd.remote.s32 $0x1  }
0xbf: {  	_ =	sfence.sel $0xFFFF  }
0xc0: {  	[dreg:$0x0] =	wrdreg $0xFFFFFFFF;
	(pc) =	sbr.abs _section_cstart, $3  }
0xc1: {  	[dreg:$0x1] =	wrdreg $0xFFFFFFFF  }
0xc2: {  	_ =	task.clear_ibuf [dreg:s7], $0x2FFFF;
	_ =	strace $0x9FFFFFFF  }
0xc3: {  	(tm) =	ssettm $0x7FFFFFFF  }
tec
execute0_lowered:
.L_overlay_start_1:
0x0: {  	(tag) =	ssettag $0x1  }
0x1: {  	s0 =	srdreg.scid;
	s1 =	rddreg [dreg:$0x0]  }
0x2: {  	s14 =	stileid.u32;
	s2 =	rddreg [dreg:$0x1]  }
0x3: {  	s3 =	rddreg [dreg:$0x2];
	s5 =	smul.u32 $0x4E20, s14  }
0x4: {  	s4 =	simm.s32 $0x0;
	s0 =	sand.u32 $0x1, s0;
	s7 =	smul.u32 $0xA000, s14  }
0x5: {  	s28 =	simm.s32 $0x50;
	s12 =	sor.u32 $0x10, s14;
	s6 =	smul.u32 $0x2710, s0  }
0x6: {  	s29 =	simm.s32 $0x100;
	s30 =	simm.s32 $0x1;
	s20 =	smul.u32 $0xA000, s12  }
0x7: {  	s22 =	sor.u32 $0x20, s14;
	s17 =	ssub.s32 $0x2, s0;
	s0 =	smul.u32 $0x138800, s0  }
0x8: {  	s31 =	simm.s32 $0x0;
	s15 =	sor.u32 $0x30, s14;
	s9 =	smul.u32 $0xA000, s22  }
0x9: {  	[smem:$0x7FF] =	sst s4;
	s16 =	sor.u32 $0x40, s14;
	s25 =	smul.u32 $0xA000, s15  }
0xa: {  	s21 =	sadd.s32 $0x65400, s1;
	_ =	strace $0x8000004D;
	s10 =	smul.u32 $0xA000, s16  }
0xb: {  	s18 =	sshrl.u32 s17, $0x1;
	s7 =	sshrl.u32 s7, $0x2;
	s5 =	sadd.s32 s6, s5  }
0xc: {  	s19 =	ssub.s32 s17, s18;
	s8 =	sshrl.u32 s20, $0x2;
	s6 =	sadd.s32 s7, s3  }
0xd: {  	s24 =	sshrl.u32 s9, $0x2;
	s17 =	sor.u32 $0x50, s14;
	s20 =	smul.u32 $0x2800, s12  }
0xe: {  	s9 =	sshrl.u32 s25, $0x2;
	s18 =	sor.u32 $0x60, s14;
	s25 =	smul.u32 $0x2800, s16  }
0xf: {  	s10 =	sshrl.u32 s10, $0x2;
	s5 =	sshrl.u32 s5, $0x3;
	s11 =	smul.u32 $0xA000, s17  }
0x10: {  	s7 =	sadd.s32 s8, s3;
	s8 =	sadd.s32 s24, s3;
	s13 =	smul.u32 $0xA000, s18  }
0x11: {  	s9 =	sadd.s32 s9, s3;
	s24 =	sor.u32 $0x70, s14;
	s14 =	smul.u32 $0x2800, s14  }
0x12: {  	s10 =	sadd.s32 s10, s3;
	s23 =	sadd.s32 s5, s1;
	s1 =	smax.u32 s19, $0x1  }
0x13: {  	s19 =	smul.u32 $0xA000, s24;
	s5 =	sadd.s32 s0, s20;
	p0 =	sgt.u32 s24, $0x7C  }
0x14: {  	[dreg:$0x4] =	wrdreg s1;
	s11 =	sshrl.u32 s11, $0x2;
	s13 =	sshrl.u32 s13, $0x2  }
0x15: {  	s14 =	sadd.s32 s0, s14;
	s1 =	smul.u32 $0x2800, s22;
	s22 =	sshrl.u32 s5, $0x3  }
0x16: {  	s5 =	smul.u32 $0x2800, s17;
	s11 =	sadd.s32 s11, s3;
	s14 =	sshrl.u32 s14, $0x3  }
0x17: {  	s19 =	sshrl.u32 s19, $0x2;
	s26 =	sadd.s32 s21, s14;
	s14 =	smul.u32 $0x2800, s15  }
0x18: {  	s12 =	sadd.s32 s13, s3;
	s13 =	sadd.s32 s19, s3;
	s15 =	smul.u32 $0x2800, s18  }
0x19: {  	s1 =	sadd.s32 s0, s1;
	s19 =	sadd.s32 s0, s25;
	s25 =	smul.u32 $0x2800, s24  }
0x1a: {  	s24 =	simm.s32 $0x2900;
	[dreg:$0x5] =	wrdreg s26;
	s26 =	sadd.s32 s21, s22  }
0x1b: {  	s1 =	sshrl.u32 s1, $0x3;
	s22 =	sshrl.u32 s19, $0x3;
	[dreg:$0x6] =	wrdreg s26  }
0x1c: {  	s16 =	sadd.s32 s21, s1;
	s14 =	sadd.s32 s0, s14;
	s18 =	sadd.s32 s21, s22  }
0x1d: {  	s1 =	sadd.s32 s0, s5;
	s20 =	sadd.s32 s0, s15;
	s0 =	sadd.s32 s0, s25  }
0x1e: {  	s22 =	sadd.s32 $0x3400, s23;
	s23 =	sadd.s32 $0xD200, s23;
	s25 =	simm.s32 $0x2  }
0x1f: {  	s17 =	sshrl.u32 s14, $0x3;
	s1 =	sshrl.u32 s1, $0x3;
	s26 =	sshrl.u32 s20, $0x3  }
0x20: {  	s0 =	sshrl.u32 s0, $0x3;
	s17 =	sadd.s32 s21, s17;
	s19 =	sadd.s32 s21, s1  }
0x21: {  	v0 =	vimm.f32 $0.0e+00;
	s20 =	sadd.s32 s21, s26;
	s21 =	sadd.s32 s21, s0;
	s26 =	simm.s32 $0x80  }
.LBB2_1:
0x22: {  	s1 =	simm.s32 $0x70;
	s0 =	simm.s32 $0x3C0  }
.LBB2_2:
0x23: {  	p1 =	sne.s32 s0, $0x9FC0;
	[tilespmem:s1+$0x2900] =	vst v0  }
0x24: {  	[tilespmem:s1+$0x2890] =	vst v0  }
0x25: {  	[tilespmem:s1+$0x28A0] =	vst v0  }
.Ltmp0:
0x26: {  	[tilespmem:s1+$0x28B0] =	vst v0;
	(pc) =	sbr.rel @p1 .LBB2_2-.Ltmp0, $4  }
0x27: {  	[tilespmem:s1+$0x28C0] =	vst v0  }
0x28: {  	[tilespmem:s1+$0x28D0] =	vst v0  }
0x29: {  	[tilespmem:s1+$0x28E0] =	vst v0  }
0x2a: {  	[tilespmem:s1+$0x28F0] =	vst v0;
	s1 =	sshra.s32 s0, $0x2;
	s0 =	sadd.s32 $0x200, s0  }
0x2b: {  	[tilespmem:s1+$0x2900] =	vst v0  }
0x2c: {  	[tilespmem:s1+$0x2890] =	vst v0  }
0x2d: {  	[tilespmem:s1+$0x28A0] =	vst v0  }
0x2e: {  	[tilespmem:s1+$0x28B0] =	vst v0  }
0x2f: {  	[tilespmem:s1+$0x28C0] =	vst v0  }
0x30: {  	[tilespmem:s1+$0x28D0] =	vst v0  }
0x31: {  	[tilespmem:s1+$0x28E0] =	vst v0  }
0x32: {  	[tilespmem:s1+$0x28F0] =	vst v0  }
0x33: {  	[spmem:s6] =	stream.linear.scatter [tilespmem:s24], [sflag:$0x2], $0x2800, $0x38;
	[tilespmem:$0x18980] =	vst v63  }
0x34: {  	_ =	swait.ge [sflag:s25], $0x2800  }
0x35: {  	[sflag:s25] =	ssyncset.done $0x0  }
0x36: {  	[sflag:s25] =	ssyncadd.s32 $0xFFFFD800  }
0x37: {  	[spmem:s7] =	stream.linear.scatter [tilespmem:s24], [sflag:$0x2], $0x2800, $0x38;
	[tilespmem:$0x18980] =	vst v63  }
0x38: {  	_ =	swait.ge [sflag:s25], $0x2800  }
0x39: {  	[sflag:s25] =	ssyncset.done $0x0  }
0x3a: {  	[sflag:s25] =	ssyncadd.s32 $0xFFFFD800  }
0x3b: {  	[spmem:s8] =	stream.linear.scatter [tilespmem:s24], [sflag:$0x2], $0x2800, $0x38;
	[tilespmem:$0x18980] =	vst v63  }
0x3c: {  	_ =	swait.ge [sflag:s25], $0x2800  }
0x3d: {  	[sflag:s25] =	ssyncset.done $0x0  }
0x3e: {  	[sflag:s25] =	ssyncadd.s32 $0xFFFFD800  }
0x3f: {  	[spmem:s9] =	stream.linear.scatter [tilespmem:s24], [sflag:$0x2], $0x2800, $0x38;
	[tilespmem:$0x18980] =	vst v63  }
0x40: {  	_ =	swait.ge [sflag:s25], $0x2800  }
0x41: {  	[sflag:s25] =	ssyncset.done $0x0  }
0x42: {  	[sflag:s25] =	ssyncadd.s32 $0xFFFFD800  }
0x43: {  	[spmem:s10] =	stream.linear.scatter [tilespmem:s24], [sflag:$0x2], $0x2800, $0x38;
	[tilespmem:$0x18980] =	vst v63  }
0x44: {  	_ =	swait.ge [sflag:s25], $0x2800  }
0x45: {  	[sflag:s25] =	ssyncset.done $0x0  }
0x46: {  	[sflag:s25] =	ssyncadd.s32 $0xFFFFD800  }
0x47: {  	[spmem:s11] =	stream.linear.scatter [tilespmem:s24], [sflag:$0x2], $0x2800, $0x38;
	[tilespmem:$0x18980] =	vst v63  }
0x48: {  	_ =	swait.ge [sflag:s25], $0x2800  }
0x49: {  	[sflag:s25] =	ssyncset.done $0x0  }
0x4a: {  	[sflag:s25] =	ssyncadd.s32 $0xFFFFD800  }
0x4b: {  	[spmem:s12] =	stream.linear.scatter [tilespmem:s24], [sflag:$0x2], $0x2800, $0x38;
	[tilespmem:$0x18980] =	vst v63  }
0x4c: {  	_ =	swait.ge [sflag:s25], $0x2800  }
0x4d: {  	[sflag:s25] =	ssyncset.done $0x0  }
0x4e: {  	s0 =	simm.s32 @!p0 $0x2900;
	[sflag:s25] =	ssyncadd.s32 $0xFFFFD800  }
0x4f: {  	[spmem:s13] =	stream.linear.scatter @!p0 [tilespmem:s0], [sflag:$0x2], $0x2800, $0x38;
	[tilespmem:$0x18980] =	vst v63  }
0x50: {  	s0 =	simm.s32 @!p0 $0x2  }
0x51: {  	_ =	swait.ge @!p0 [sflag:s0], $0x2800  }
0x52: {  	[sflag:s0] =	ssyncset.done @!p0 $0x0  }
0x53: {  	[sflag:s0] =	ssyncadd.s32 @!p0 $0xFFFFD800  }
0x54: {  	s14 =	sadd.s32 $0x0, s23;
	[bflag:$0x0] =	sbarrier.arrive $0xFFFF  }
0x55: {  	[tilespmem:s4], [sflag:$0x2] =	stream.linear.gather [hbm4b:s14+s4], $0x50, $0x38;
	[tilespmem:$0x18980] =	vst v63  }
0x56: {  	_ =	swait.ge [sflag:s25], $0x50  }
0x57: {  	[sflag:s25] =	ssyncset.done $0x0  }
0x58: {  	s15 =	sadd.s32 $0x0, s22;
	[sflag:s25] =	ssyncadd.s32 $0xFFFFFFB0  }
0x59: {  	[tilespmem:s26], [sflag:$0x2] =	stream.linear.gather [hbm4b:s15+s4], $0x50, $0x38;
	[tilespmem:$0x18980] =	vst v63  }
0x5a: {  	_ =	swait.ge [sflag:s25], $0x50  }
0x5b: {  	[sflag:s25] =	ssyncset.done $0x0  }
0x5c: {  	[sflag:s25] =	ssyncadd.s32 $0xFFFFFFB0  }
0x5d: {  	[tilespmem:s29], [sflag:$0x1] =	stream.indirect.gather [hbm4b:s2+s28], $0x80, s4, s28, $0xb8;
	[tilespmem:$0x18980] =	vst v63  }
0x5e: {  	_ =	swait.ge [sflag:s30], $0x2800  }
0x5f: {  	[sflag:s30] =	ssyncset.done $0x0  }
0x60: {  	[sflag:s30] =	ssyncadd.s32 $0xFFFFD800  }
0x61: {  	[spmem:s3] =	stream.indirect.scatter.add.f32 [tilespmem:s29], [sflag:$0x2], $0x80, s26, s28, $0xb8;
	[tilespmem:$0x18980] =	vst v63  }
0x62: {  	_ =	swait.ge [sflag:s25], $0x2800  }
0x63: {  	s1 =	simm.s32 $0xA;
	s0 =	simm.s32 $0x14;
	[sflag:s25] =	ssyncset.done $0x0  }
.LBB2_4:
0x64: {  	s5 =	sadd.s32 s1, s23  }
0x65: {  	[sflag:s25] =	ssyncadd.s32 $0xFFFFD800;
	s14 =	smov.u32 s0;
	s15 =	sadd.s32 $0xA, s0  }
0x66: {  	[tilespmem:s4], [sflag:$0x2] =	stream.linear.gather [hbm4b:s5+s4], $0x50, $0x38;
	[tilespmem:$0x18980] =	vst v63  }
0x67: {  	p1 =	sne.s32 s0, $0x4D8;
	_ =	swait.ge [sflag:s25], $0x50  }
0x68: {  	[sflag:s25] =	ssyncset.done $0x0  }
0x69: {  	s0 =	sadd.s32 s1, s22;
	s1 =	smov.u32 s14;
	[sflag:s25] =	ssyncadd.s32 $0xFFFFFFB0  }
0x6a: {  	[tilespmem:s26], [sflag:$0x2] =	stream.linear.gather [hbm4b:s0+s4], $0x50, $0x38;
	[tilespmem:$0x18980] =	vst v63  }
0x6b: {  	_ =	swait.ge [sflag:s25], $0x50  }
0x6c: {  	[sflag:s25] =	ssyncset.done $0x0  }
0x6d: {  	[sflag:s25] =	ssyncadd.s32 $0xFFFFFFB0  }
0x6e: {  	[tilespmem:s29], [sflag:$0x1] =	stream.indirect.gather [hbm4b:s2+s28], $0x80, s4, s28, $0xb8;
	[tilespmem:$0x18980] =	vst v63  }
0x6f: {  	_ =	swait.ge [sflag:s30], $0x2800  }
.Ltmp1:
0x70: {  	[sflag:s30] =	ssyncset.done $0x0;
	(pc) =	sbr.rel @p1 .LBB2_4-.Ltmp1, $4  }
0x71: {  	[sflag:s30] =	ssyncadd.s32 $0xFFFFD800  }
0x72: {  	[spmem:s3] =	stream.indirect.scatter.add.f32 [tilespmem:s29], [sflag:$0x2], $0x80, s26, s28, $0xb8;
	[tilespmem:$0x18980] =	vst v63  }
0x73: {  	_ =	swait.ge [sflag:s25], $0x2800  }
0x74: {  	s0 =	smov.u32 s15;
	[sflag:s25] =	ssyncset.done $0x0  }
0x75: {  	s0 =	sadd.s32 s1, s23;
	[sflag:s25] =	ssyncadd.s32 $0xFFFFD800  }
0x76: {  	[tilespmem:s4], [sflag:$0x2] =	stream.linear.gather [hbm4b:s0+s4], $0x50, $0x38;
	[tilespmem:$0x18980] =	vst v63  }
0x77: {  	_ =	swait.ge [sflag:s25], $0x50  }
0x78: {  	[sflag:s25] =	ssyncset.done $0x0  }
0x79: {  	s5 =	sadd.s32 s1, s22;
	[sflag:s25] =	ssyncadd.s32 $0xFFFFFFB0  }
0x7a: {  	[tilespmem:s26], [sflag:$0x2] =	stream.linear.gather [hbm4b:s5+s4], $0x50, $0x38;
	[tilespmem:$0x18980] =	vst v63  }
0x7b: {  	_ =	swait.ge [sflag:s25], $0x50  }
0x7c: {  	[sflag:s25] =	ssyncset.done $0x0  }
0x7d: {  	[sflag:s25] =	ssyncadd.s32 $0xFFFFFFB0  }
0x7e: {  	[tilespmem:s29], [sflag:$0x1] =	stream.indirect.gather [hbm4b:s2+s28], $0x80, s4, s28, $0xb8;
	[tilespmem:$0x18980] =	vst v63  }
0x7f: {  	_ =	swait.ge [sflag:s30], $0x2800  }
0x80: {  	[sflag:s30] =	ssyncset.done $0x0  }
0x81: {  	[sflag:s30] =	ssyncadd.s32 $0xFFFFD800  }
0x82: {  	[spmem:s3] =	stream.indirect.scatter.add.f32 [tilespmem:s29], [sflag:$0x2], $0x80, s26, s28, $0xb8;
	[tilespmem:$0x18980] =	vst v63  }
0x83: {  	_ =	swait.ge [sflag:s25], $0x2800  }
0x84: {  	[sflag:s25] =	ssyncset.done $0x0  }
0x85: {  	s14 =	stileid.u32;
	[sflag:s25] =	ssyncadd.s32 $0xFFFFD800  }
0x86: {  	s0 =	sshll.u32 s14, $0x6;
	[bflag:$0x0] =	sbarrier.arrive $0xFFFF  }
0x87: {  	s15 =	sshrl.u32 s6, $0x3;
	s0 =	sor.u32 $0x1C02, s0;
	s5 =	rddreg [dreg:$0x5]  }
0x88: {  	[hbm:s5], [sflag:s0] =	dma.local [spmem:s15], $0x500  }
0x89: {  	_ =	swait.ge [sflag:s25], $0x500  }
0x8a: {  	[sflag:s25] =	ssyncset.done $0x0  }
0x8b: {  	s14 =	sshrl.u32 s7, $0x3;
	s15 =	rddreg [dreg:$0x6];
	[sflag:s25] =	ssyncadd.s32 $0xFFFFFB00  }
0x8c: {  	[hbm:s15], [sflag:s0] =	dma.local [spmem:s14], $0x500  }
0x8d: {  	_ =	swait.ge [sflag:s25], $0x500  }
0x8e: {  	[sflag:s25] =	ssyncset.done $0x0  }
0x8f: {  	s5 =	sshrl.u32 s8, $0x3;
	[sflag:s25] =	ssyncadd.s32 $0xFFFFFB00  }
0x90: {  	[hbm:s16], [sflag:s0] =	dma.local [spmem:s5], $0x500  }
0x91: {  	_ =	swait.ge [sflag:s25], $0x500  }
0x92: {  	[sflag:s25] =	ssyncset.done $0x0  }
0x93: {  	s14 =	sshrl.u32 s9, $0x3;
	[sflag:s25] =	ssyncadd.s32 $0xFFFFFB00  }
0x94: {  	[hbm:s17], [sflag:s0] =	dma.local [spmem:s14], $0x500  }
0x95: {  	_ =	swait.ge [sflag:s25], $0x500  }
0x96: {  	[sflag:s25] =	ssyncset.done $0x0  }
0x97: {  	s15 =	sshrl.u32 s10, $0x3;
	[sflag:s25] =	ssyncadd.s32 $0xFFFFFB00  }
0x98: {  	[hbm:s18], [sflag:s0] =	dma.local [spmem:s15], $0x500  }
0x99: {  	_ =	swait.ge [sflag:s25], $0x500  }
0x9a: {  	[sflag:s25] =	ssyncset.done $0x0  }
0x9b: {  	s5 =	sshrl.u32 s11, $0x3;
	[sflag:s25] =	ssyncadd.s32 $0xFFFFFB00  }
0x9c: {  	[hbm:s19], [sflag:s0] =	dma.local [spmem:s5], $0x500  }
0x9d: {  	_ =	swait.ge [sflag:s25], $0x500  }
0x9e: {  	[sflag:s25] =	ssyncset.done $0x0  }
0x9f: {  	s14 =	sshrl.u32 s12, $0x3;
	[sflag:s25] =	ssyncadd.s32 $0xFFFFFB00  }
0xa0: {  	[hbm:s20], [sflag:s0] =	dma.local [spmem:s14], $0x500  }
0xa1: {  	_ =	swait.ge [sflag:s25], $0x500  }
0xa2: {  	[sflag:s25] =	ssyncset.done $0x0  }
0xa3: {  	s1 =	sshrl.u32 @!p0 s13, $0x3;
	[sflag:s25] =	ssyncadd.s32 $0xFFFFFB00  }
0xa4: {  	[hbm:s21], [sflag:s0] =	dma.local @!p0 [spmem:s1], $0x500  }
0xa5: {  	s0 =	simm.s32 @!p0 $0x2  }
0xa6: {  	_ =	swait.ge @!p0 [sflag:s0], $0x500  }
0xa7: {  	s31 =	sadd.s32 $0x1, s31;
	s15 =	rddreg [dreg:$0x4]  }
0xa8: {  	p1 =	sne.s32 s31, s15  }
.Ltmp2:
0xa9: {  	_ = 	snop;
	(pc) =	sbr.rel @p1 .LBB2_1-.Ltmp2, $3  }
0xaa: {  	_ =	sdelay $0x1  }
0xab: {  	[sflag:s0] =	ssyncset.done @!p0 $0x0  }
0xac: {  	[sflag:s0] =	ssyncadd.s32 @!p0 $0xFFFFFB00  }
0xad: {  	_ =	sfence.sel $0x180000  }
0xae: {  	[bflag:$0x0] =	sbarrier.arrive $0xFFFF  }
0xaf: {  	_ =	strace $0x9000004D  }
0xb0: {  	s0 =	stileid.u32;
	[bflag:$0x2] =	sbarrier.arrive $0xFFFF  }
0xb1: {  	p0 =	sne.s32 s0, $0x0;
	s0 =	rddreg [dreg:$0x3]  }
0xb2: {  	s0 =	sadd.s32 @!p0 $0x100000, s0  }
0xb3: {  	[sflag:s0] =	ssyncadd.tile.s32 @!p0 $0x1;
	_ =	shalt  }
.Lfunc_end2:
_tile_overlayer_lowered:
.L_overlay_start_2:
0xb4: {  	(tag) =	ssettag $0x2  }
0xb5: {  	s0 =	rddreg [dreg:$0x0];
	s2 =	stileid.u32  }
0xb6: {  	s1 =	rddreg [dreg:$0x1];
	p0 =	sne.s32 s2, $0x0  }
0xb7: {  	s3 =	rddreg [dreg:$0x2];
	[bflag:$0x3] =	sbarrier.arrive $0xFFFF;
	s2 =	simm.s32 @!p0 $0x1C02  }
0xb8: {  	[timem:s3], [sflag:s2] =	dma.local @!p0 [hbm:s0], s1  }
0xb9: {  	s0 =	simm.s32 @!p0 $0x2  }
0xba: {  	_ =	swait.ge @!p0 [sflag:s0], s1  }
0xbb: {  	s1 =	ssub.s32 @!p0 $0x0, s1;
	[sflag:s0] =	ssyncset.done @!p0 $0x0  }
0xbc: {  	[sflag:s0] =	ssyncadd.s32 @!p0 s1  }
0xbd: {  	[bflag:$0x3] =	sbarrier.arrive $0xFFFF  }
0xbe: {  	_ =	shalt  }

// kernel: kernel.8.cloned.1.call-start
scs
__scs_entry_jumppad:
0x0: {  	(pc) =	sbr.rel $0x88, $3  }
0x1: {  	(tag) =	ssettag $0x0;
	lr =	simm.s32 $0x1  }
0x2: {  	[smem:$0x3F9B] =	sst lr;
	_ =	strace $0xD0000000  }
0x3: {  	_ = 	snop  }
0x4: {  	_ = 	snop  }
0x5: {  	_ = 	snop  }
0x6: {  	_ = 	snop  }
0x7: {  	_ = 	snop  }
__scs_overlays_trampoline_lowered:
0x8: {  	[smem:$0x3FAA] =	sst s0  }
0x9: {  	[smem:$0x3FAB] =	sst s1  }
0xa: {  	[smem:$0x3FAC] =	sst s2  }
0xb: {  	[smem:$0x3FAD] =	sst s3  }
0xc: {  	[smem:$0x3FAE] =	sst s4  }
0xd: {  	[smem:$0x3FAF] =	sst s5  }
0xe: {  	[smem:$0x3FB0] =	sst s6  }
0xf: {  	[smem:$0x3FB1] =	sst s7  }
0x10: {  	[smem:$0x3FB2] =	sst s8  }
0x11: {  	[smem:$0x3FB3] =	sst s9;
	s0 =	simm.s32 @!p0 $0x0  }
0x12: {  	s1 =	sld [smem:$0x3F99];
	s0 =	simm.s32 @p0 $0x1  }
0x13: {  	[smem:$0x3FB4] =	sst s0;
	s0 =	simm.s32 @!p1 $0x0  }
0x14: {  	s2 =	sld [smem:$0x3F98];
	s0 =	simm.s32 @p1 $0x1  }
0x15: {  	[smem:$0x3FB5] =	sst s0;
	s0 =	simm.s32 @!p2 $0x0  }
0x16: {  	s3 =	sld [smem:$0x3FDB];
	s0 =	simm.s32 @p2 $0x1  }
0x17: {  	s4 =	simm.s32 $0x1BF5;
	[smem:$0x3FB7] =	sst s0  }
0x18: {  	s0 =	sld [smem:$0x3F9A];
	_ =	swait.ge [sflag:s4], $0x0  }
0x19: {  	s7 =	sld [smem:$0x3F9B]  }
0x1a: {  	s8 =	sadd.s32 $0xFFFFE003, lr  }
0x1b: {  	s9 =	sadd.s32 $0xFFFFFEF7, lr;
	s5 =	simm.s32 $0xFFFFFFFF;
	p2 =	slt.u32 s8, $0xFFFFF086  }
0x1c: {  	p1 =	slt.u32 s9, $0xF7A;
	s5 =	simm.s32 @!p2 $0x0  }
0x1d: {  	s5 =	simm.s32 @p1 $0x1;
	p0 =	seq.s32 s7, s2  }
0x1e: {  	s7 =	smul.u32 @!p0 $0xF7A, s2;
	p2 =	seq.s32 @!p0 s5, $0x0  }
0x1f: {  	s9 =	smul.u32 $0xF7A, s1;
	s8 =	simm.s32 @!p0 $0x1BF5;
	p2 =	por !p2, p0  }
0x20: {  	[sflag:s8] =	ssyncset.s32 @!p0 $0xFFFFF086;
	s6 =	sadd.s32 @!p0 s3, s7;
	s7 =	simm.s32 @!p0 $0x108  }
0x21: {  	s3 =	sadd.s32 s3, s9;
	s6 =	sadd.s32 @!p0 $0x88, s6;
	s7 =	simm.s32 @p2 $0x1082  }
0x22: {  	[simem:s7], [sflag:s8] =	dma.local @!p0 [hbm:s6], $0xF7A  }
0x23: {  	s9 =	sor.u32 $0xD0000000, s2;
	s6 =	simm.s32 $0x108;
	_ =	swait.ge @!p0 [sflag:s8], $0x0  }
0x24: {  	s3 =	sadd.s32 $0x88, s3;
	s6 =	simm.s32 @!p1 $0x1082;
	[sflag:s4] =	ssyncset.s32 $0xFFFFF086  }
0x25: {  	[simem:s6], [sflag:s4] =	dma.local [hbm:s3], $0xF7A  }
0x26: {  	[smem:$0x3F9B] =	sst s1;
	(tag) =	ssettag s2;
	_ =	strace s9  }
0x27: {  	s1 =	sld [smem:$0x3FAB]  }
0x28: {  	s2 =	sld [smem:$0x3FAC]  }
0x29: {  	s4 =	sld [smem:$0x3FAE]  }
0x2a: {  	p0 =	seq.s32 s5, $0x0;
	s5 =	sld [smem:$0x3FAF]  }
0x2b: {  	s6 =	sld [smem:$0x3FB0]  }
0x2c: {  	s7 =	sld [smem:$0x3FB1]  }
0x2d: {  	s3 =	simm.s32 $0x108;
	s8 =	sld [smem:$0x3FB2]  }
0x2e: {  	s3 =	simm.s32 @!p0 $0x1082;
	s9 =	sld [smem:$0x3FB3]  }
0x2f: {  	lr =	sadd.s32 s0, s3;
	s0 =	sld [smem:$0x3FAA]  }
0x30: {  	s3 =	sld [smem:$0x3FAD]  }
0x31: {  	[smem:$0x3FB6] =	sst s10  }
0x32: {  	s10 =	sld [smem:$0x3FB4];
	_ =	sdelay $0x3  }
0x33: {  	p0 =	seq.s32 s10, $0x1;
	s10 =	sld [smem:$0x3FB6];
	_ =	sdelay $0x3  }
0x34: {  	[smem:$0x3FB6] =	sst s10  }
0x35: {  	s10 =	sld [smem:$0x3FB5];
	_ =	sdelay $0x3  }
0x36: {  	p1 =	seq.s32 s10, $0x1;
	s10 =	sld [smem:$0x3FB6];
	_ =	sdelay $0x3  }
0x37: {  	[smem:$0x3FB6] =	sst s10  }
0x38: {  	s10 =	sld [smem:$0x3FB7]  }
0x39: {  	_ = 	snop;
	(pc) =	sbr.ind lr, $3  }
0x3a: {  	_ = 	snop  }
0x3b: {  	_ = 	snop  }
0x3c: {  	p2 =	seq.s32 s10, $0x1;
	s10 =	sld [smem:$0x3FB6]  }
0x3d: {  	_ =	shalt  }
0x3e: {  	_ =	shalt  }
0x3f: {  	_ =	shalt  }
0x40: {  	_ =	shalt  }
0x41: {  	_ =	shalt  }
0x42: {  	_ =	shalt  }
0x43: {  	_ =	shalt  }
0x44: {  	_ =	shalt  }
0x45: {  	_ =	shalt  }
0x46: {  	_ =	shalt  }
0x47: {  	_ =	shalt  }
0x48: {  	_ =	shalt  }
0x49: {  	_ =	shalt  }
0x4a: {  	_ =	shalt  }
0x4b: {  	_ =	shalt  }
0x4c: {  	_ =	shalt  }
0x4d: {  	_ =	shalt  }
0x4e: {  	_ =	shalt  }
0x4f: {  	_ =	shalt  }
0x50: {  	_ =	shalt  }
0x51: {  	_ =	shalt  }
0x52: {  	_ =	shalt  }
0x53: {  	_ =	shalt  }
0x54: {  	_ =	shalt  }
0x55: {  	_ =	shalt  }
0x56: {  	_ =	shalt  }
0x57: {  	_ =	shalt  }
0x58: {  	_ =	shalt  }
0x59: {  	_ =	shalt  }
0x5a: {  	_ =	shalt  }
0x5b: {  	_ =	shalt  }
0x5c: {  	_ =	shalt  }
0x5d: {  	_ =	shalt  }
0x5e: {  	_ =	shalt  }
0x5f: {  	_ =	shalt  }
0x60: {  	_ =	shalt  }
0x61: {  	_ =	shalt  }
0x62: {  	_ =	shalt  }
0x63: {  	_ =	shalt  }
0x64: {  	_ =	shalt  }
0x65: {  	_ =	shalt  }
0x66: {  	_ =	shalt  }
0x67: {  	_ =	shalt  }
0x68: {  	_ =	shalt  }
0x69: {  	_ =	shalt  }
0x6a: {  	_ =	shalt  }
0x6b: {  	_ =	shalt  }
0x6c: {  	_ =	shalt  }
0x6d: {  	_ =	shalt  }
0x6e: {  	_ =	shalt  }
0x6f: {  	_ =	shalt  }
0x70: {  	_ =	shalt  }
0x71: {  	_ =	shalt  }
0x72: {  	_ =	shalt  }
0x73: {  	_ =	shalt  }
0x74: {  	_ =	shalt  }
0x75: {  	_ =	shalt  }
0x76: {  	_ =	shalt  }
0x77: {  	_ =	shalt  }
0x78: {  	_ =	shalt  }
0x79: {  	_ =	shalt  }
0x7a: {  	_ =	shalt  }
0x7b: {  	_ =	shalt  }
0x7c: {  	_ =	shalt  }
0x7d: {  	_ =	shalt  }
0x7e: {  	_ =	shalt  }
0x7f: {  	_ =	shalt  }
0x80: {  	_ =	shalt  }
0x81: {  	_ =	shalt  }
0x82: {  	_ =	shalt  }
0x83: {  	_ =	shalt  }
0x84: {  	_ =	shalt  }
0x85: {  	_ =	shalt  }
0x86: {  	_ =	shalt  }
0x87: {  	_ =	shalt  }
.Lfunc_end0:
.L_simem_size_0:
called_computation_lowered:
.L_overlay_start_0:
0x88: {  	s2 =	sld [smem:$0x3FD9]  }
0x89: {  	s3 =	sld [smem:$0x3FFE];
	_ =	sdelay $0x1  }
0x8a: {  	s1 =	srdreg.scid  }
0x8b: {  	s0 =	sand.u32 $0x1, s1  }
0x8c: {  	s16 =	sshll.u32 s0, $0xA;
	s2 =	sadd.s32 s3, s2  }
0x8d: {  	s2 =	sadd.s32 s2, s16  }
0x8e: {  	[smem:$0x3FC2] =	sst s2  }
0x8f: {  	_ = 	snop  }
0x90: {  	(tm) =	ssettm $0x1  }
0x91: {  	s17 =	sld [smem:$0x3FFB];
	_ =	sdelay $0x3  }
0x92: {  	_ =	strace s17  }
0x93: {  	s2 =	sld [smem:$0x3FFC];
	_ =	sdelay $0x3  }
0x94: {  	_ =	strace s2  }
0x95: {  	s2 =	sld [smem:$0x3FFD];
	_ =	sdelay $0x3  }
0x96: {  	_ =	strace s2  }
0x97: {  	_ =	strace $0x8FFFFFFF  }
0x98: {  	s18 =	sld [smem:$0x3FDB];
	_ =	sdelay $0x1  }
0x99: {  	s19 =	simm.s32 $_scs_section_size  }
0x9a: {  	s4 =	simm.s32 $_size__tile_overlayer_lowered;
	s5 =	simm.s32 $_tile_overlayer_lowered  }
0x9b: {  	s22 =	simm.s32 $0x1BFF;
	s21 =	sshll.u32 s5, $0x1;
	s2 =	sadd.s32 s19, s18  }
0x9c: {  	s6 =	simm.s32 $0x0;
	s20 =	sshll.u32 s4, $0x1;
	s4 =	sadd.s32 s21, s2  }
0x9d: {  	[timem:s6], [sflag:s22] =	dma.local [hbm:s4], s20  }
0x9e: {  	_ =	swait.ge [sflag:s22], s20  }
0x9f: {  	s3 =	ssub.s32 $0x0, s20;
	[sflag:s22] =	ssyncset.done $0x0  }
0xa0: {  	[sflag:s22] =	ssyncadd.s32 s3;
	_ =	sdelay $0x1  }
0xa1: {  	s23 =	simm.s32 $0x1B8B  }
0xa2: {  	_ =	swait.ge [sflag:s23], $0x1  }
0xa3: {  	[sflag:s23] =	ssyncset.done $0x0  }
0xa4: {  	s25 =	simm.s32 $0x1B8E;
	s24 =	sld [smem:$0x3FFE];
	[sflag:s23] =	ssyncadd.s32 $0xFFFFFFFF  }
0xa5: {  	s26 =	simm.s32 $execute0_lowered;
	[smem:$0x3FD2] =	sst s25  }
0xa6: {  	s4 =	sshll.u32 s26, $0x1;
	_ =	strace $0x80000046;
	[dreg:$0x1] =	wrdreg $0xFFFFFFFF  }
0xa7: {  	s28 =	simm.s32 $_size_execute0_lowered;
	s2 =	sadd.s32 s2, s4;
	[dreg:$0x0] =	wrdreg $0x0  }
0xa8: {  	s4 =	sshll.u32 s28, $0x1;
	[dreg:$0x2] =	wrdreg s2  }
0xa9: {  	[dreg:$0x3] =	wrdreg s4  }
0xaa: {  	[dreg:$0x4] =	wrdreg $0xC0  }
0xab: {  	_ =	task [dreg:s6], $0x5FFFF  }
0xac: {  	[dreg:$0x1] =	wrdreg $0xFFFFFFFF  }
0xad: {  	[dreg:$0x0] =	wrdreg $0x60  }
0xae: {  	[dreg:$0x2] =	wrdreg s24  }
0xaf: {  	[dreg:$0x3] =	wrdreg $0x50800  }
0xb0: {  	[dreg:$0x4] =	wrdreg $0x9  }
0xb1: {  	_ =	task.clear_ibuf [dreg:s6], $0x5FFFF;
	_ =	strace $0x90000046  }
0xb2: {  	s29 =	simm.s32 $0x9;
	_ =	strace $0x80000048  }
0xb3: {  	_ =	swait.ge [sflag:s29], $0x1  }
0xb4: {  	[sflag:s29] =	ssyncadd.s32 $0xFFFFFFFF  }
0xb5: {  	_ =	strace $0x90000048  }
0xb6: {  	_ =	sfence  }
0xb7: {  	s30 =	sld [smem:$0x0];
	_ =	sdelay $0x2  }
0xb8: {  	s31 =	sshll.u32 s1, $0xD;
	s1 =	sshrl.u32 s1, $0x2  }
0xb9: {  	s3 =	sand.u32 $0x4000, s31;
	s1 =	sadd.s32 s1, s30  }
0xba: {  	s0 =	sor.u32 s3, s0;
	s1 =	sshll.u32 s1, $0x11  }
0xbb: {  	s0 =	sor.u32 s1, s0  }
0xbc: {  	s0 =	sadd.s32 $0x8F2B, s0  }
0xbd: {  	[sflag:s0] =	ssyncadd.remote.s32 $0x1  }
0xbe: {  	_ =	sfence.sel $0xFFFF  }
0xbf: {  	[dreg:$0x0] =	wrdreg $0xFFFFFFFF;
	(pc) =	sbr.abs _section_cstart, $3  }
0xc0: {  	[dreg:$0x1] =	wrdreg $0xFFFFFFFF  }
0xc1: {  	_ =	task.clear_ibuf [dreg:s6], $0x2FFFF;
	_ =	strace $0x9FFFFFFF  }
0xc2: {  	(tm) =	ssettm $0x7FFFFFFF  }
0xc3: {  	_ =	shalt  }
tec
execute0_lowered:
.L_overlay_start_1:
0x0: {  	(tag) =	ssettag $0x1  }
0x1: {  	s0 =	stileid.u32  }
0x2: {  	s1 =	srdreg.scid;
	s5 =	smul.u32 $0x4E20, s0  }
0x3: {  	s4 =	sand.u32 $0x1, s1;
	s8 =	smul.u32 $0xA000, s0  }
0x4: {  	s11 =	sor.u32 $0x10, s0;
	s7 =	smul.u32 $0x2710, s4  }
0x5: {  	s17 =	smul.u32 $0xA000, s11  }
0x6: {  	s12 =	sor.u32 $0x20, s0;
	s18 =	smul.u32 $0x138800, s4  }
0x7: {  	s6 =	rddreg [dreg:$0x0];
	s14 =	sor.u32 $0x30, s0;
	s22 =	smul.u32 $0xA000, s12  }
0x8: {  	s2 =	rddreg [dreg:$0x1];
	s23 =	smul.u32 $0xA000, s14  }
0x9: {  	s3 =	simm.s32 $0x0;
	s1 =	rddreg [dreg:$0x2];
	s24 =	smul.u32 $0x2800, s11  }
0xa: {  	[smem:$0x7FF] =	sst s3;
	s20 =	sadd.s32 $0x17000, s6;
	s25 =	smul.u32 $0x2800, s12  }
0xb: {  	_ =	strace $0x80000047;
	s15 =	ssub.s32 $0x2, s4;
	s28 =	smul.u32 $0x2800, s14  }
0xc: {  	s16 =	sshrl.u32 s15, $0x1;
	s19 =	sshrl.u32 s8, $0x2;
	s5 =	sadd.s32 s7, s5  }
0xd: {  	s7 =	sshrl.u32 s22, $0x2;
	s8 =	sshrl.u32 s23, $0x2;
	s22 =	sor.u32 $0x70, s0  }
0xe: {  	s24 =	sadd.s32 s18, s24;
	s26 =	sadd.s32 s18, s25;
	s5 =	sshrl.u32 s5, $0x3  }
0xf: {  	s7 =	sadd.s32 s7, s2;
	s8 =	sadd.s32 s8, s2;
	s23 =	smul.u32 $0xA000, s22  }
0x10: {  	s21 =	sadd.s32 s5, s6;
	s5 =	ssub.s32 s15, s16;
	s15 =	sor.u32 $0x40, s0  }
0x11: {  	s29 =	sshrl.u32 s24, $0x3;
	s16 =	sor.u32 $0x50, s0;
	s9 =	smul.u32 $0xA000, s15  }
0x12: {  	s6 =	sshrl.u32 s17, $0x2;
	s17 =	sor.u32 $0x60, s0;
	s10 =	smul.u32 $0xA000, s16  }
0x13: {  	s30 =	sshrl.u32 s26, $0x3;
	s26 =	sadd.s32 s18, s28;
	s13 =	smul.u32 $0xA000, s17  }
0x14: {  	s4 =	smax.u32 s5, $0x1;
	s5 =	sadd.s32 s19, s2;
	s19 =	smul.u32 $0x2800, s0  }
0x15: {  	p0 =	sgt.u32 s22, $0x7C;
	s14 =	sadd.s32 s20, s29;
	s31 =	smul.u32 $0x2800, s15  }
0x16: {  	s6 =	sadd.s32 s6, s2;
	s23 =	sshrl.u32 s23, $0x2;
	s25 =	smul.u32 $0x2800, s16  }
0x17: {  	s15 =	sadd.s32 s20, s30;
	s28 =	smul.u32 $0x2800, s17;
	s16 =	sshrl.u32 s26, $0x3  }
0x18: {  	s30 =	smul.u32 $0x2800, s22;
	s21 =	sadd.s32 $0x3400, s21;
	s22 =	simm.s32 $0x2880  }
0x19: {  	s26 =	simm.s32 $0x0;
	s12 =	sadd.s32 s23, s2;
	s16 =	sadd.s32 s20, s16  }
0x1a: {  	s9 =	sshrl.u32 s9, $0x2;
	s10 =	sshrl.u32 s10, $0x2;
	s13 =	sshrl.u32 s13, $0x2  }
0x1b: {  	s19 =	sadd.s32 s18, s19;
	s23 =	sadd.s32 s18, s31;
	s24 =	sadd.s32 s18, s28  }
0x1c: {  	s9 =	sadd.s32 s9, s2;
	s10 =	sadd.s32 s10, s2;
	s19 =	sshrl.u32 s19, $0x3  }
0x1d: {  	s11 =	sadd.s32 s13, s2;
	s29 =	sshrl.u32 s23, $0x3;
	s23 =	sadd.s32 s18, s30  }
0x1e: {  	s31 =	sshrl.u32 s24, $0x3;
	s13 =	sadd.s32 s20, s19;
	s19 =	sadd.s32 s18, s25  }
0x1f: {  	s24 =	simm.s32 $0x50;
	s17 =	sadd.s32 s20, s29;
	s19 =	sshrl.u32 s19, $0x3  }
0x20: {  	s23 =	sshrl.u32 s23, $0x3;
	s25 =	simm.s32 $0x80;
	s18 =	sadd.s32 s20, s19  }
0x21: {  	v0 =	vimm.f32 $0.0e+00;
	v1 =	vimm.f32 $1.000000000e+00;
	s19 =	sadd.s32 s20, s31;
	s20 =	sadd.s32 s20, s23;
	s23 =	simm.s32 $0x1  }
.LBB2_1:
0x22: {  	s28 =	simm.s32 $0x0  }
.LBB2_2:
0x23: {  	p1 =	sne.s32 s28, $0x9E00  }
.Ltmp0:
0x24: {  	_ = 	snop;
	(pc) =	sbr.rel @p1 .LBB2_2-.Ltmp0, $3  }
0x25: {  	_ =	sdelay $0x1  }
0x26: {  	s29 =	sshra.s32 s28, $0x2  }
0x27: {  	s28 =	sadd.s32 $0x200, s28;
	[tilespmem:s29+$0x2880] =	vst v0  }
0x28: {  	s28 =	simm.s32 $0x200;
	s29 =	simm.s32 $0x0  }
.LBB2_4:
0x29: {  	p1 =	sne.s32 s28, $0x9E00;
	[tilespmem:s29+$0x80] =	vst v1;
	s29 =	smov.u32 s28;
	s28 =	sadd.s32 $0x200, s28  }
.Ltmp1:
0x2a: {  	(pc) =	sbr.rel @p1 .LBB2_4-.Ltmp1, $2  }
0x2b: {  	_ =	sdelay $0x2  }
0x2c: {  	s29 =	sshra.s32 s29, $0x2  }
0x2d: {  	[tilespmem:s29+$0x80] =	vst v1  }
0x2e: {  	[spmem:s5] =	stream.linear.scatter [tilespmem:s22], [sflag:$0x1], $0x2800, $0x38;
	[tilespmem:$0x7790] =	vst v63  }
0x2f: {  	_ =	swait.ge [sflag:s23], $0x2800  }
0x30: {  	[sflag:s23] =	ssyncset.done $0x0  }
0x31: {  	[sflag:s23] =	ssyncadd.s32 $0xFFFFD800  }
0x32: {  	[spmem:s6] =	stream.linear.scatter [tilespmem:s22], [sflag:$0x1], $0x2800, $0x38;
	[tilespmem:$0x7790] =	vst v63  }
0x33: {  	_ =	swait.ge [sflag:s23], $0x2800  }
0x34: {  	[sflag:s23] =	ssyncset.done $0x0  }
0x35: {  	[sflag:s23] =	ssyncadd.s32 $0xFFFFD800  }
0x36: {  	[spmem:s7] =	stream.linear.scatter [tilespmem:s22], [sflag:$0x1], $0x2800, $0x38;
	[tilespmem:$0x7790] =	vst v63  }
0x37: {  	_ =	swait.ge [sflag:s23], $0x2800  }
0x38: {  	[sflag:s23] =	ssyncset.done $0x0  }
0x39: {  	[sflag:s23] =	ssyncadd.s32 $0xFFFFD800  }
0x3a: {  	[spmem:s8] =	stream.linear.scatter [tilespmem:s22], [sflag:$0x1], $0x2800, $0x38;
	[tilespmem:$0x7790] =	vst v63  }
0x3b: {  	_ =	swait.ge [sflag:s23], $0x2800  }
0x3c: {  	[sflag:s23] =	ssyncset.done $0x0  }
0x3d: {  	[sflag:s23] =	ssyncadd.s32 $0xFFFFD800  }
0x3e: {  	[spmem:s9] =	stream.linear.scatter [tilespmem:s22], [sflag:$0x1], $0x2800, $0x38;
	[tilespmem:$0x7790] =	vst v63  }
0x3f: {  	_ =	swait.ge [sflag:s23], $0x2800  }
0x40: {  	[sflag:s23] =	ssyncset.done $0x0  }
0x41: {  	[sflag:s23] =	ssyncadd.s32 $0xFFFFD800  }
0x42: {  	[spmem:s10] =	stream.linear.scatter [tilespmem:s22], [sflag:$0x1], $0x2800, $0x38;
	[tilespmem:$0x7790] =	vst v63  }
0x43: {  	_ =	swait.ge [sflag:s23], $0x2800  }
0x44: {  	[sflag:s23] =	ssyncset.done $0x0  }
0x45: {  	[sflag:s23] =	ssyncadd.s32 $0xFFFFD800  }
0x46: {  	[spmem:s11] =	stream.linear.scatter [tilespmem:s22], [sflag:$0x1], $0x2800, $0x38;
	[tilespmem:$0x7790] =	vst v63  }
0x47: {  	_ =	swait.ge [sflag:s23], $0x2800  }
0x48: {  	[sflag:s23] =	ssyncset.done $0x0  }
0x49: {  	s28 =	simm.s32 @!p0 $0x2880;
	[sflag:s23] =	ssyncadd.s32 $0xFFFFD800  }
0x4a: {  	[spmem:s12] =	stream.linear.scatter @!p0 [tilespmem:s28], [sflag:$0x1], $0x2800, $0x38;
	[tilespmem:$0x7790] =	vst v63  }
0x4b: {  	s28 =	simm.s32 @!p0 $0x1  }
0x4c: {  	_ =	swait.ge @!p0 [sflag:s28], $0x2800  }
0x4d: {  	[sflag:s28] =	ssyncset.done @!p0 $0x0  }
0x4e: {  	[sflag:s28] =	ssyncadd.s32 @!p0 $0xFFFFD800  }
0x4f: {  	s28 =	sadd.s32 $0x0, s21;
	[bflag:$0x0] =	sbarrier.arrive $0xFFFF  }
0x50: {  	[tilespmem:s3], [sflag:$0x1] =	stream.linear.gather [hbm4b:s28+s3], $0x50, $0x38;
	[tilespmem:$0x7790] =	vst v63  }
0x51: {  	_ =	swait.ge [sflag:s23], $0x50  }
0x52: {  	[sflag:s23] =	ssyncset.done $0x0  }
0x53: {  	[sflag:s23] =	ssyncadd.s32 $0xFFFFFFB0  }
0x54: {  	[spmem:s2] =	stream.indirect.scatter.add.f32 [tilespmem:s25], [sflag:$0x1], $0x10, s3, s24, $0xb8;
	[tilespmem:$0x7790] =	vst v63  }
0x55: {  	_ =	swait.ge [sflag:s23], $0x500  }
0x56: {  	s29 =	simm.s32 $0x14;
	s28 =	simm.s32 $0xA;
	[sflag:s23] =	ssyncset.done $0x0  }
.LBB2_6:
0x57: {  	s30 =	sadd.s32 s28, s21  }
0x58: {  	[sflag:s23] =	ssyncadd.s32 $0xFFFFFB00;
	s28 =	smov.u32 s29;
	s31 =	sadd.s32 $0xA, s29  }
0x59: {  	[tilespmem:s3], [sflag:$0x1] =	stream.linear.gather [hbm4b:s30+s3], $0x50, $0x38;
	[tilespmem:$0x7790] =	vst v63  }
0x5a: {  	p1 =	sne.s32 s29, $0x4D8;
	_ =	swait.ge [sflag:s23], $0x50  }
.Ltmp2:
0x5b: {  	[sflag:s23] =	ssyncset.done $0x0;
	(pc) =	sbr.rel @p1 .LBB2_6-.Ltmp2, $4  }
0x5c: {  	[sflag:s23] =	ssyncadd.s32 $0xFFFFFFB0  }
0x5d: {  	[spmem:s2] =	stream.indirect.scatter.add.f32 [tilespmem:s25], [sflag:$0x1], $0x10, s3, s24, $0xb8;
	[tilespmem:$0x7790] =	vst v63  }
0x5e: {  	_ =	swait.ge [sflag:s23], $0x500  }
0x5f: {  	s29 =	smov.u32 s31;
	[sflag:s23] =	ssyncset.done $0x0  }
0x60: {  	s28 =	sadd.s32 s28, s21;
	[sflag:s23] =	ssyncadd.s32 $0xFFFFFB00  }
0x61: {  	[tilespmem:s3], [sflag:$0x1] =	stream.linear.gather [hbm4b:s28+s3], $0x50, $0x38;
	[tilespmem:$0x7790] =	vst v63  }
0x62: {  	_ =	swait.ge [sflag:s23], $0x50  }
0x63: {  	[sflag:s23] =	ssyncset.done $0x0  }
0x64: {  	[sflag:s23] =	ssyncadd.s32 $0xFFFFFFB0  }
0x65: {  	[spmem:s2] =	stream.indirect.scatter.add.f32 [tilespmem:s25], [sflag:$0x1], $0x10, s3, s24, $0xb8;
	[tilespmem:$0x7790] =	vst v63  }
0x66: {  	_ =	swait.ge [sflag:s23], $0x500  }
0x67: {  	[sflag:s23] =	ssyncset.done $0x0  }
0x68: {  	s29 =	sshll.u32 s0, $0x6;
	[sflag:s23] =	ssyncadd.s32 $0xFFFFFB00  }
0x69: {  	s28 =	sor.u32 $0x1C01, s29;
	s29 =	sshrl.u32 s5, $0x3;
	[bflag:$0x0] =	sbarrier.arrive $0xFFFF  }
0x6a: {  	[hbm:s13], [sflag:s28] =	dma.local [spmem:s29], $0x500  }
0x6b: {  	_ =	swait.ge [sflag:s23], $0x500  }
0x6c: {  	[sflag:s23] =	ssyncset.done $0x0  }
0x6d: {  	s30 =	sshrl.u32 s6, $0x3;
	[sflag:s23] =	ssyncadd.s32 $0xFFFFFB00  }
0x6e: {  	[hbm:s14], [sflag:s28] =	dma.local [spmem:s30], $0x500  }
0x6f: {  	_ =	swait.ge [sflag:s23], $0x500  }
0x70: {  	[sflag:s23] =	ssyncset.done $0x0  }
0x71: {  	s31 =	sshrl.u32 s7, $0x3;
	[sflag:s23] =	ssyncadd.s32 $0xFFFFFB00  }
0x72: {  	[hbm:s15], [sflag:s28] =	dma.local [spmem:s31], $0x500  }
0x73: {  	_ =	swait.ge [sflag:s23], $0x500  }
0x74: {  	[sflag:s23] =	ssyncset.done $0x0  }
0x75: {  	s30 =	sshrl.u32 s8, $0x3;
	[sflag:s23] =	ssyncadd.s32 $0xFFFFFB00  }
0x76: {  	[hbm:s16], [sflag:s28] =	dma.local [spmem:s30], $0x500  }
0x77: {  	_ =	swait.ge [sflag:s23], $0x500  }
0x78: {  	[sflag:s23] =	ssyncset.done $0x0  }
0x79: {  	s31 =	sshrl.u32 s9, $0x3;
	[sflag:s23] =	ssyncadd.s32 $0xFFFFFB00  }
0x7a: {  	[hbm:s17], [sflag:s28] =	dma.local [spmem:s31], $0x500  }
0x7b: {  	_ =	swait.ge [sflag:s23], $0x500  }
0x7c: {  	[sflag:s23] =	ssyncset.done $0x0  }
0x7d: {  	s30 =	sshrl.u32 s10, $0x3;
	[sflag:s23] =	ssyncadd.s32 $0xFFFFFB00  }
0x7e: {  	[hbm:s18], [sflag:s28] =	dma.local [spmem:s30], $0x500  }
0x7f: {  	_ =	swait.ge [sflag:s23], $0x500  }
0x80: {  	[sflag:s23] =	ssyncset.done $0x0  }
0x81: {  	s31 =	sshrl.u32 s11, $0x3;
	[sflag:s23] =	ssyncadd.s32 $0xFFFFFB00  }
0x82: {  	[hbm:s19], [sflag:s28] =	dma.local [spmem:s31], $0x500  }
0x83: {  	_ =	swait.ge [sflag:s23], $0x500  }
0x84: {  	s26 =	sadd.s32 $0x1, s26;
	[sflag:s23] =	ssyncset.done $0x0  }
0x85: {  	p1 =	sne.s32 s26, s4;
	s29 =	sshrl.u32 @!p0 s12, $0x3;
	[sflag:s23] =	ssyncadd.s32 $0xFFFFFB00  }
0x86: {  	[hbm:s20], [sflag:s28] =	dma.local @!p0 [spmem:s29], $0x500  }
.Ltmp3:
0x87: {  	_ = 	snop;
	(pc) =	sbr.rel @p1 .LBB2_1-.Ltmp3, $4  }
0x88: {  	s28 =	simm.s32 @!p0 $0x1  }
0x89: {  	_ =	swait.ge @!p0 [sflag:s28], $0x500  }
0x8a: {  	[sflag:s28] =	ssyncset.done @!p0 $0x0  }
0x8b: {  	[sflag:s28] =	ssyncadd.s32 @!p0 $0xFFFFFB00  }
0x8c: {  	_ =	sfence.sel $0x180000  }
0x8d: {  	[bflag:$0x0] =	sbarrier.arrive $0xFFFF  }
0x8e: {  	p0 =	sne.s32 s0, $0x0;
	_ =	strace $0x90000047  }
0x8f: {  	s0 =	sadd.s32 @!p0 $0x100000, s1;
	[bflag:$0x2] =	sbarrier.arrive $0xFFFF  }
0x90: {  	[sflag:s0] =	ssyncadd.tile.s32 @!p0 $0x1;
	_ =	shalt  }
.Lfunc_end2:
_tile_overlayer_lowered:
.L_overlay_start_2:
0x91: {  	(tag) =	ssettag $0x2  }
0x92: {  	s0 =	rddreg [dreg:$0x0];
	s2 =	stileid.u32  }
0x93: {  	s1 =	rddreg [dreg:$0x1];
	p0 =	sne.s32 s2, $0x0  }
0x94: {  	s3 =	rddreg [dreg:$0x2];
	[bflag:$0x3] =	sbarrier.arrive $0xFFFF;
	s2 =	simm.s32 @!p0 $0x1C01  }
0x95: {  	[timem:s3], [sflag:s2] =	dma.local @!p0 [hbm:s0], s1  }
0x96: {  	s0 =	simm.s32 @!p0 $0x1  }
0x97: {  	_ =	swait.ge @!p0 [sflag:s0], s1  }
0x98: {  	s1 =	ssub.s32 @!p0 $0x0, s1;
	[sflag:s0] =	ssyncset.done @!p0 $0x0  }
0x99: {  	[sflag:s0] =	ssyncadd.s32 @!p0 s1  }
0x9a: {  	[bflag:$0x3] =	sbarrier.arrive $0xFFFF  }
0x9b: {  	_ =	shalt  }

</sc_bundles>
